<compile_context>
chip_gen: v7x
topology: tpu7x:2x2x1
jax: 0.10.2.dev20260603
libtpu: 0.0.44.dev20260713+nightly
codegen_flags: <defaults>
</compile_context>

<pallas_src>
import jax
import jax.numpy as jnp
from jax import lax
from jax.experimental import pallas as pl
from jax.experimental.pallas import tpu as pltpu
from jax.experimental.pallas import tpu_sc as plsc

_B = 64
_ROI = 116
_SEG = _ROI
_SEG2 = 2 * _SEG
_D = 115
_F = 64
_N = _B * _SEG2
_EPG = 7424
_E = _B * _EPG
_NC = 2
_NS = 16
_NW = _NC * _NS
_EPT = _E // _NW
_CH = 128
_NCH = _EPT // _CH
_RPT = _N // _NS

_mesh = plsc.VectorSubcoreMesh(
    core_axis_name="c", subcore_axis_name="s", num_cores=_NC, num_subcores=_NS
)
_sc_params = pltpu.CompilerParams(
    use_tc_tiling_on_sc=False, needs_layout_passes=False
)


def _h_body(x_ref, wg_ref, h_ref):
    h_ref[...] = jnp.dot(x_ref[...], wg_ref[...], preferred_element_type=jnp.float32)


def _q_body(x_ref, wq_ref, q_ref):
    q_ref[...] = jnp.dot(x_ref[...], wq_ref[...], preferred_element_type=jnp.float32)


def _mlp_body(qa_ref, qb_ref, w1_ref, b1_ref, w2_ref, b2_ref, iw_ref):
    iw0 = qa_ref[...] + qb_ref[...]
    t = jnp.maximum(jnp.dot(iw0, w1_ref[...], preferred_element_type=jnp.float32)
                    + b1_ref[...], 0.0)
    iw_ref[...] = jnp.maximum(jnp.dot(t, w2_ref[...], preferred_element_type=jnp.float32)
                              + b2_ref[...], 0.0)


def _dinv_body(dp_ref, o_ref):
    dsum = dp_ref[0:1, :] + dp_ref[1:2, :] + 1.0
    o_ref[...] = lax.rsqrt(dsum)


def _ep_body(p0_ref, p1_ref, h_ref, dv_ref, bg_ref, g_ref):
    dv = dv_ref[...]
    g = p0_ref[...] + p1_ref[...] + dv * dv * h_ref[...] + bg_ref[...]
    g_ref[...] = jnp.maximum(g, 0.0)


def _fin_body(a_ref, w3_ref, b3_ref, w4_ref, b4_ref, o_ref):
    t = jnp.dot(a_ref[...], w3_ref[...], preferred_element_type=jnp.float32) + b3_ref[...]
    t = jnp.maximum(t, 0.0)
    o_ref[...] = jnp.dot(t, w4_ref[...], preferred_element_type=jnp.float32) + b4_ref[...]


def _deg_body(col_hbm, w_hbm, degp_hbm, col_v, w_v, wbuf, zbuf, deg_sh):
    c = lax.axis_index("c")
    s = lax.axis_index("s")
    tid = c * _NS + s

    pltpu.sync_copy(col_hbm.at[pl.ds(tid * _NCH, _NCH)], col_v)
    pltpu.sync_copy(w_hbm.at[pl.ds(tid * _NCH, _NCH)], w_v)

    zero16 = jnp.zeros((16,), jnp.float32)

    def _zb(i, _):
        zbuf[i, :] = zero16
        return 0
    lax.fori_loop(0, _RPT, _zb, 0)
    pltpu.sync_copy(zbuf, deg_sh.at[pl.ds(s * _RPT, _RPT)])
    plsc.subcore_barrier()

    iota16 = lax.iota(jnp.int32, 16)
    zero_i16 = jnp.zeros((16,), jnp.int32)

    def _chunk(k, _):
        def _fill(jj, _2):
            w16 = w_v[k, pl.ds(jj * 16, 16)]
            plsc.store_scatter(wbuf, [jj * 16 + iota16, zero_i16], w16)
            return 0
        lax.fori_loop(0, _CH // 16, _fill, 0)
        pltpu.sync_copy(wbuf, deg_sh.at[col_v.at[k]], add=True)
        return 0
    lax.fori_loop(0, _NCH, _chunk, 0)

    plsc.subcore_barrier()
    pltpu.sync_copy(deg_sh.at[pl.ds(s * _RPT, _RPT)],
                    degp_hbm.at[c, pl.ds(s * _RPT, _RPT)])


_deg_call = pl.kernel(
    _deg_body,
    out_type=jax.ShapeDtypeStruct((_NC, _N, 16), jnp.float32),
    mesh=_mesh,
    compiler_params=_sc_params,
    scratch_types=[
        pltpu.VMEM((_NCH, _CH), jnp.int32),
        pltpu.VMEM((_NCH, _CH), jnp.float32),
        pltpu.VMEM((_CH, 16), jnp.float32),
        pltpu.VMEM((_RPT, 16), jnp.float32),
        pltpu.VMEM_SHARED((_N, 16), jnp.float32),
    ],
)


def _agg_body(row_hbm, col_hbm, w_hbm, dinv_hbm, h_hbm, z_hbm, outp_hbm,
              row_v, col_v, w_v, dinv_v, norm_v, hbuf, out_sh, sem):
    c = lax.axis_index("c")
    s = lax.axis_index("s")
    tid = c * _NS + s

    pltpu.sync_copy(dinv_hbm, dinv_v)
    pltpu.sync_copy(row_hbm.at[pl.ds(tid * _NCH, _NCH)], row_v)
    pltpu.sync_copy(col_hbm.at[pl.ds(tid * _NCH, _NCH)], col_v)
    pltpu.sync_copy(w_hbm.at[pl.ds(tid * _NCH, _NCH)], w_v)
    pltpu.sync_copy(z_hbm.at[pl.ds(s * _RPT, _RPT)],
                    out_sh.at[pl.ds(s * _RPT, _RPT)])
    plsc.subcore_barrier()

    def _chunk(k, _):
        pltpu.async_copy(h_hbm.at[row_v.at[k]], hbuf, sem).wait()
        for j in range(_CH // 16):
            sl = pl.ds(j * 16, 16)
            dr = plsc.load_gather(dinv_v, [row_v[k, sl]])
            dc = plsc.load_gather(dinv_v, [col_v[k, sl]])
            norm_v[sl] = dr * w_v[k, sl] * dc

        def _sb(jj, _2):
            n16 = norm_v[pl.ds(jj * 16, 16)]
            for u in range(16):
                e = jj * 16 + u
                sc = n16[u]
                for f in range(_F // 16):
                    hbuf[e, pl.ds(f * 16, 16)] = hbuf[e, pl.ds(f * 16, 16)] * sc
            return 0
        lax.fori_loop(0, _CH // 16, _sb, 0)
        pltpu.sync_copy(hbuf, out_sh.at[col_v.at[k]], add=True)
        return 0
    lax.fori_loop(0, _NCH, _chunk, 0)

    plsc.subcore_barrier()
    pltpu.sync_copy(out_sh.at[pl.ds(s * _RPT, _RPT)],
                    outp_hbm.at[c, pl.ds(s * _RPT, _RPT)])


_agg_call = pl.kernel(
    _agg_body,
    out_type=jax.ShapeDtypeStruct((_NC, _N, _F), jnp.float32),
    mesh=_mesh,
    compiler_params=_sc_params,
    scratch_types=[
        pltpu.VMEM((_NCH, _CH), jnp.int32),
        pltpu.VMEM((_NCH, _CH), jnp.int32),
        pltpu.VMEM((_NCH, _CH), jnp.float32),
        pltpu.VMEM((_N,), jnp.float32),
        pltpu.VMEM((_CH,), jnp.float32),
        pltpu.VMEM((_CH, _F), jnp.float32),
        pltpu.VMEM_SHARED((_N, _F), jnp.float32),
        pltpu.SemaphoreType.DMA,
    ],
)


def kernel(x, edge_index, edge_weight, batch, device, conv1_w, conv1_b,
           W1, b1, W2, b2, Wg, bg, W3, b3, W4, b4):
    f32 = jnp.float32
    x = x.astype(f32)

    wq = jnp.stack([conv1_w[:_D], conv1_w[_D:2 * _D]], axis=1)
    nrb = 8
    rb = _N // nrb
    q = pl.pallas_call(
        _q_body,
        grid=(nrb,),
        in_specs=[
            pl.BlockSpec((rb, _D), lambda i: (i, 0)),
            pl.BlockSpec((_D, 2), lambda i: (0, 0)),
        ],
        out_specs=pl.BlockSpec((rb, 2), lambda i: (i, 0)),
        out_shape=jax.ShapeDtypeStruct((_N, 2), f32),
    )(x, wq)

    qa = q[:, 0].reshape(_B, 2, _SEG)[:, 0]
    qb = q[:, 1].reshape(_B, 2, _SEG)[:, 1]
    b1e = (b1 + conv1_b[0] * jnp.sum(W1, axis=0)).reshape(1, -1)
    iw = pl.pallas_call(
        _mlp_body,
        in_specs=[pl.BlockSpec(qa.shape, lambda: (0, 0)),
                  pl.BlockSpec(qb.shape, lambda: (0, 0)),
                  pl.BlockSpec(W1.shape, lambda: (0, 0)),
                  pl.BlockSpec(b1e.shape, lambda: (0, 0)),
                  pl.BlockSpec(W2.shape, lambda: (0, 0)),
                  pl.BlockSpec((1, _ROI), lambda: (0, 0))],
        out_specs=pl.BlockSpec((_B, _ROI), lambda: (0, 0)),
        out_shape=jax.ShapeDtypeStruct((_B, _ROI), f32),
    )(qa, qb, W1, b1e, W2, b2.reshape(1, -1))

    ew = edge_weight.reshape(_B, _EPG).at[:, _EPG - _SEG:].set(iw).reshape(-1)

    row2d = edge_index[0].reshape(_E // _CH, _CH).astype(jnp.int32)
    col2d = edge_index[1].reshape(_E // _CH, _CH).astype(jnp.int32)
    ew2d = ew.reshape(_E // _CH, _CH)

    degp = _deg_call(col2d, ew2d)

    h = pl.pallas_call(
        _h_body,
        grid=(nrb,),
        in_specs=[
            pl.BlockSpec((rb, _D), lambda i: (i, 0)),
            pl.BlockSpec((_D, _F), lambda i: (0, 0)),
        ],
        out_specs=pl.BlockSpec((rb, _F), lambda i: (i, 0)),
        out_shape=jax.ShapeDtypeStruct((_N, _F), f32),
    )(x, Wg)

    dp = degp[:, :, 0].reshape(_NC, _N)
    dinv = pl.pallas_call(
        _dinv_body,
        in_specs=[pl.BlockSpec((_NC, _N), lambda: (0, 0))],
        out_specs=pl.BlockSpec((1, _N), lambda: (0, 0)),
        out_shape=jax.ShapeDtypeStruct((1, _N), f32),
    )(dp).reshape(_N)

    zeros = jnp.zeros((_N, _F), f32)
    outp = _agg_call(row2d, col2d, ew2d, dinv, h, zeros)

    g = pl.pallas_call(
        _ep_body,
        grid=(nrb,),
        in_specs=[
            pl.BlockSpec((rb, _F), lambda i: (i, 0)),
            pl.BlockSpec((rb, _F), lambda i: (i, 0)),
            pl.BlockSpec((rb, _F), lambda i: (i, 0)),
            pl.BlockSpec((rb, 1), lambda i: (i, 0)),
            pl.BlockSpec((1, _F), lambda i: (0, 0)),
        ],
        out_specs=pl.BlockSpec((rb, _F), lambda i: (i, 0)),
        out_shape=jax.ShapeDtypeStruct((_N, _F), f32),
    )(outp[0], outp[1], h, dinv.reshape(_N, 1), bg.reshape(1, _F))

    flat = g.reshape(_B, _SEG2 * _F)
    out = pl.pallas_call(
        _fin_body,
        in_specs=[pl.BlockSpec(flat.shape, lambda: (0, 0)),
                  pl.BlockSpec(W3.shape, lambda: (0, 0)),
                  pl.BlockSpec((1, W3.shape[1]), lambda: (0, 0)),
                  pl.BlockSpec(W4.shape, lambda: (0, 0)),
                  pl.BlockSpec((1, 1), lambda: (0, 0))],
        out_specs=pl.BlockSpec((_B, 1), lambda: (0, 0)),
        out_shape=jax.ShapeDtypeStruct((_B, 1), f32),
    )(flat, W3, b3.reshape(1, -1), W4, b4.reshape(1, 1))

    return out, iw

# --- scband reference (transcript-rebuilt; emitter-appended) ---
"""Pipeline reference for scband-sc-fc-inter-gcn-29446295781424 (READ-ONLY COPY).

The authoritative reference and input builder live on the scoring server;
editing this copy changes nothing except your own understanding.
"""

import jax, jax.numpy as jnp
import numpy as np

B = 64
ROI = 116
NPG = 2 * ROI
D = 115
EPG = 7424
N = B * NPG
E = B * EPG
HID = 64
HC2 = 64


def _gcn_conv(x, edge_index, edge_weight, W, b):
    n = x.shape[0]
    loop = jnp.arange(n)
    row = jnp.concatenate([edge_index[0], loop])
    col = jnp.concatenate([edge_index[1], loop])
    w = jnp.concatenate([edge_weight, jnp.ones((n,), edge_weight.dtype)])
    deg = jnp.zeros((n,), edge_weight.dtype).at[col].add(w)
    dinv = jnp.where(deg > 0, 1.0 / jnp.sqrt(deg), 0.0)
    norm = dinv[row] * w * dinv[col]
    h = x @ W
    out = jnp.zeros((n, h.shape[1]), h.dtype).at[col].add(norm[:, None] * h[row])
    return out + b


def setup_inputs(seed: int = 0):
    key = jax.random.key(seed)
    ks = jax.random.split(key, 16)
    s = 0.05
    return {
        "x": jax.random.normal(ks[0], (N, D), dtype=jnp.float32),
        "edge_index": jax.random.randint(ks[1], (2, E), 0, N),
        "edge_weight": jax.random.uniform(ks[2], (E,), dtype=jnp.float32),
        "batch": jnp.sort(jax.random.randint(ks[3], (N,), 0, B)),
        "device": 0,
        "conv1_w": jax.random.normal(ks[4], (2 * D,), dtype=jnp.float32) * s,
        "conv1_b": jax.random.normal(ks[5], (1,), dtype=jnp.float32) * s,
        "W1": jax.random.normal(ks[6], (ROI, 58), dtype=jnp.float32) * s,
        "b1": jnp.zeros((58,), jnp.float32),
        "W2": jax.random.normal(ks[7], (58, ROI), dtype=jnp.float32) * s,
        "b2": jnp.zeros((ROI,), jnp.float32),
        "Wg": jax.random.normal(ks[8], (D, HID), dtype=jnp.float32) * s,
        "bg": jnp.zeros((HID,), jnp.float32),
        "W3": jax.random.normal(ks[9], (NPG * HID, HC2), dtype=jnp.float32) * s,
        "b3": jnp.zeros((HC2,), jnp.float32),
        "W4": jax.random.normal(ks[10], (HC2, 1), dtype=jnp.float32) * s,
        "b4": jnp.zeros((1,), jnp.float32),
    }


def reference(x, edge_index, edge_weight, batch, device, conv1_w, conv1_b, W1, b1, W2, b2, Wg, bg, W3, b3, W4, b4):
    bsz = batch.shape[0] // NPG
    seg2 = x.shape[0] // bsz
    seg = seg2 // 2
    d = x.shape[1]
    xr = x.reshape(bsz, 2, seg, d)
    node_fc = xr[:, 0].reshape(bsz * seg, d)
    node_sc = xr[:, 1].reshape(bsz * seg, d)
    inter = jnp.concatenate([node_fc, node_sc], axis=1).reshape(bsz, seg, 2 * d)
    iw = jnp.einsum("bsw,w->bs", inter, conv1_w) + conv1_b[0]
    iw = jax.nn.relu(iw @ W1 + b1)
    iw = jax.nn.relu(iw @ W2 + b2)
    epg = edge_weight.shape[0] // bsz
    ew = edge_weight.reshape(bsz, epg).at[:, -seg:].set(iw).reshape(-1)
    x2 = jnp.stack([node_fc.reshape(bsz, seg, d), node_sc.reshape(bsz, seg, d)], axis=1).reshape(bsz * seg2, d)
    h = jax.nn.relu(_gcn_conv(x2, edge_index, ew, Wg, bg))
    flat = h.reshape(bsz, seg2 * h.shape[1])
    out = jax.nn.relu(flat @ W3 + b3)
    out = out @ W4 + b4
    return out, iw

if __name__ == "__main__":
    import jax
    _d = setup_inputs()
    print(jax.jit(kernel)(*tuple(_d.values())))

</pallas_src>

<mosaic_0001>
#map = affine_map<(d0, d1) -> (0, 0)>
#map1 = affine_map<(d0, d1) -> (0, 0, 0)>
module attributes {stable_mosaic.version = 14 : i64} {
  func.func @_deg_body(%arg0: i32, %arg1: i32, %arg2: memref<3712x128xi32, #tpu.memory_space<hbm>>, %arg3: memref<3712x128xf32, #tpu.memory_space<hbm>>, %arg4: memref<2x14848x16xf32, #tpu.memory_space<hbm>>, %arg5: memref<116x128xi32, #tpu.memory_space<vmem>>, %arg6: memref<116x128xf32, #tpu.memory_space<vmem>>, %arg7: memref<128x16xf32, #tpu.memory_space<vmem>>, %arg8: memref<928x16xf32, #tpu.memory_space<vmem>>, %arg9: memref<14848x16xf32, #tpu.memory_space<vmem_shared>>) attributes {dimension_semantics = [#tpu.dimension_semantics<core_parallel>, #tpu.dimension_semantics<subcore_parallel>], iteration_bounds = array<i64: 2, 16>, scalar_prefetch = 0 : i64, scratch_operands = 5 : i64, tpu.core_type = #tpu.core_type<sc_vector_subcore>, window_params = [{transform_indices = #map}, {transform_indices = #map}, {transform_indices = #map1}]} {
    %mul3A = arith.constant 16 : i32
    %mul3A_0 = arith.muli %arg0, %mul3A : i32
    %add3A = arith.addi %mul3A_0, %arg1 : i32
    %mul3A_1 = arith.constant 116 : i32
    %mul3A_2 = arith.muli %add3A, %mul3A_1 : i32
    "tpu.region"() ({
      %run_scoped3A = tpu.sem_alloc : memref<!tpu.dma_semaphore, #tpu.memory_space<semaphore_mem>>
      %dma_start3A = arith.constant 0 : i32
      %dma_start3A_28 = tpu.memref_slice %arg2[%mul3A_2, %dma_start3A] : memref<3712x128xi32, #tpu.memory_space<hbm>> -> memref<116x128xi32, #tpu.memory_space<hbm>>
      %dma_start3A_29 = arith.constant 0 : i32
      %dma_start3A_30 = tpu.memref_slice %arg2[%mul3A_2, %dma_start3A_29] : memref<3712x128xi32, #tpu.memory_space<hbm>> -> memref<116x128xi32, #tpu.memory_space<hbm>>
      tpu.enqueue_dma source(%dma_start3A_30 : memref<116x128xi32, #tpu.memory_space<hbm>>) target(%arg5 : memref<116x128xi32, #tpu.memory_space<vmem>>) target_semaphore(%run_scoped3A : memref<!tpu.dma_semaphore, #tpu.memory_space<semaphore_mem>>)
      %dma_wait3A = arith.constant 0 : i32
      %dma_wait3A_31 = tpu.memref_slice %arg2[%mul3A_2, %dma_wait3A] : memref<3712x128xi32, #tpu.memory_space<hbm>> -> memref<116x128xi32, #tpu.memory_space<hbm>>
      %dma_wait3A_32 = arith.constant 0 : i32
      %dma_wait3A_33 = tpu.memref_slice %arg2[%mul3A_2, %dma_wait3A_32] : memref<3712x128xi32, #tpu.memory_space<hbm>> -> memref<116x128xi32, #tpu.memory_space<hbm>>
      tpu.wait_dma2 semaphore(%run_scoped3A : memref<!tpu.dma_semaphore, #tpu.memory_space<semaphore_mem>>) src(%dma_wait3A_33 : memref<116x128xi32, #tpu.memory_space<hbm>>) dst(%arg5 : memref<116x128xi32, #tpu.memory_space<vmem>>)
      tpu.yield
    }) : () -> ()
    %mul3A_3 = arith.constant 116 : i32
    %mul3A_4 = arith.muli %add3A, %mul3A_3 : i32
    "tpu.region"() ({
      %run_scoped3A = tpu.sem_alloc : memref<!tpu.dma_semaphore, #tpu.memory_space<semaphore_mem>>
      %dma_start3A = arith.constant 0 : i32
      %dma_start3A_28 = tpu.memref_slice %arg3[%mul3A_4, %dma_start3A] : memref<3712x128xf32, #tpu.memory_space<hbm>> -> memref<116x128xf32, #tpu.memory_space<hbm>>
      %dma_start3A_29 = arith.constant 0 : i32
      %dma_start3A_30 = tpu.memref_slice %arg3[%mul3A_4, %dma_start3A_29] : memref<3712x128xf32, #tpu.memory_space<hbm>> -> memref<116x128xf32, #tpu.memory_space<hbm>>
      tpu.enqueue_dma source(%dma_start3A_30 : memref<116x128xf32, #tpu.memory_space<hbm>>) target(%arg6 : memref<116x128xf32, #tpu.memory_space<vmem>>) target_semaphore(%run_scoped3A : memref<!tpu.dma_semaphore, #tpu.memory_space<semaphore_mem>>)
      %dma_wait3A = arith.constant 0 : i32
      %dma_wait3A_31 = tpu.memref_slice %arg3[%mul3A_4, %dma_wait3A] : memref<3712x128xf32, #tpu.memory_space<hbm>> -> memref<116x128xf32, #tpu.memory_space<hbm>>
      %dma_wait3A_32 = arith.constant 0 : i32
      %dma_wait3A_33 = tpu.memref_slice %arg3[%mul3A_4, %dma_wait3A_32] : memref<3712x128xf32, #tpu.memory_space<hbm>> -> memref<116x128xf32, #tpu.memory_space<hbm>>
      tpu.wait_dma2 semaphore(%run_scoped3A : memref<!tpu.dma_semaphore, #tpu.memory_space<semaphore_mem>>) src(%dma_wait3A_33 : memref<116x128xf32, #tpu.memory_space<hbm>>) dst(%arg6 : memref<116x128xf32, #tpu.memory_space<vmem>>)
      tpu.yield
    }) : () -> ()
    %broadcast_in_dim3A = arith.constant 0.000000e+00 : f32
    %broadcast_in_dim3A_5 = vector.broadcast %broadcast_in_dim3A : f32 to vector<16xf32>
    %scan3A = arith.constant 0 : i32
    %scan3A_6 = arith.constant 0 : i32
    %scan3A_7 = arith.constant 928 : i32
    %scan3A_8 = arith.addi %scan3A_6, %scan3A_7 : i32
    %scan3A_9 = arith.constant 1 : i32
    %scan3A_10 = scf.for %scan3A_28 = %scan3A_6 to %scan3A_8 step %scan3A_9 iter_args(%scan3A_29 = %scan3A) -> (i32)  : i32 {
      %swap3A = arith.index_cast %scan3A_28 : i32 to index
      %swap3A_30 = arith.constant 0 : index
      %swap3A_31 = tpu.vector_load %arg8[%swap3A, %swap3A_30] {strides = array<i32>} : memref<928x16xf32, #tpu.memory_space<vmem>>, vector<16xf32>,
      tpu.vector_store %arg8[%swap3A, %swap3A_30], %broadcast_in_dim3A_5 {strides = array<i32>} : memref<928x16xf32, #tpu.memory_space<vmem>>, vector<16xf32>,
      %scan3A_32 = arith.constant 0 : i32
      scf.yield %scan3A_32 : i32
    }
    %scan3A_11 = arith.constant 928 : i32
    %mul3A_12 = arith.constant 928 : i32
    %mul3A_13 = arith.muli %arg1, %mul3A_12 : i32
    "tpu.region"() ({
      %run_scoped3A = tpu.sem_alloc : memref<!tpu.dma_semaphore, #tpu.memory_space<semaphore_mem>>
      %dma_start3A = arith.constant 0 : i32
      %dma_start3A_28 = tpu.memref_slice %arg9[%mul3A_13, %dma_start3A] : memref<14848x16xf32, #tpu.memory_space<vmem_shared>> -> memref<928x16xf32, #tpu.memory_space<vmem_shared>>
      %dma_start3A_29 = arith.constant 0 : i32
      %dma_start3A_30 = tpu.memref_slice %arg9[%mul3A_13, %dma_start3A_29] : memref<14848x16xf32, #tpu.memory_space<vmem_shared>> -> memref<928x16xf32, #tpu.memory_space<vmem_shared>>
      tpu.enqueue_dma source(%arg8 : memref<928x16xf32, #tpu.memory_space<vmem>>) target(%dma_start3A_30 : memref<928x16xf32, #tpu.memory_space<vmem_shared>>) target_semaphore(%run_scoped3A : memref<!tpu.dma_semaphore, #tpu.memory_space<semaphore_mem>>)
      %dma_wait3A = arith.constant 0 : i32
      %dma_wait3A_31 = tpu.memref_slice %arg9[%mul3A_13, %dma_wait3A] : memref<14848x16xf32, #tpu.memory_space<vmem_shared>> -> memref<928x16xf32, #tpu.memory_space<vmem_shared>>
      %dma_wait3A_32 = arith.constant 0 : i32
      %dma_wait3A_33 = tpu.memref_slice %arg9[%mul3A_13, %dma_wait3A_32] : memref<14848x16xf32, #tpu.memory_space<vmem_shared>> -> memref<928x16xf32, #tpu.memory_space<vmem_shared>>
      tpu.wait_dma2 semaphore(%run_scoped3A : memref<!tpu.dma_semaphore, #tpu.memory_space<semaphore_mem>>) src(%arg8 : memref<928x16xf32, #tpu.memory_space<vmem>>) dst(%dma_wait3A_33 : memref<928x16xf32, #tpu.memory_space<vmem_shared>>)
      tpu.yield
    }) : () -> ()
    %barrier3A = arith.constant 0 : index
    tpu.barrier barrier_id(%barrier3A)
    %iota3A = tpu.iota {dimensions = array<i32: 0>} : vector<16xi32>
    %broadcast_in_dim3A_14 = arith.constant 0 : i32
    %broadcast_in_dim3A_15 = vector.broadcast %broadcast_in_dim3A_14 : i32 to vector<16xi32>
    %scan3A_16 = arith.constant 0 : i32
    %scan3A_17 = arith.constant 0 : i32
    %scan3A_18 = arith.constant 116 : i32
    %scan3A_19 = arith.addi %scan3A_17, %scan3A_18 : i32
    %scan3A_20 = arith.constant 1 : i32
    %scan3A_21 = scf.for %scan3A_28 = %scan3A_17 to %scan3A_19 step %scan3A_20 iter_args(%scan3A_29 = %scan3A_16) -> (i32)  : i32 {
      %scan3A_30 = arith.constant 0 : i32
      %scan3A_31 = arith.constant 0 : i32
      %scan3A_32 = arith.constant 8 : i32
      %scan3A_33 = arith.addi %scan3A_31, %scan3A_32 : i32
      %scan3A_34 = arith.constant 1 : i32
      %scan3A_35 = scf.for %scan3A_38 = %scan3A_31 to %scan3A_33 step %scan3A_34 iter_args(%scan3A_39 = %scan3A_30) -> (i32)  : i32 {
        %mul3A_40 = arith.constant 16 : i32
        %mul3A_41 = arith.muli %scan3A_38, %mul3A_40 : i32
        %get3A = arith.index_cast %scan3A_28 : i32 to index
        %get3A_42 = arith.index_cast %mul3A_41 : i32 to index
        %get3A_43 = tpu.vector_load %arg6[%get3A, %get3A_42] {strides = array<i32>} : memref<116x128xf32, #tpu.memory_space<vmem>>, vector<16xf32>,
        %mul3A_44 = arith.constant 16 : i32
        %mul3A_45 = arith.muli %scan3A_38, %mul3A_44 : i32
        %add3A_46 = vector.broadcast %mul3A_45 : i32 to vector<16xi32>
        %add3A_47 = arith.addi %add3A_46, %iota3A : vector<16xi32>
        tpu.vector_store_idx %arg7[%add3A_47, %broadcast_in_dim3A_15], %get3A_43 : memref<128x16xf32, #tpu.memory_space<vmem>>[vector<16xi32>, vector<16xi32>], vector<16xf32>,
        %scan3A_48 = arith.constant 0 : i32
        scf.yield %scan3A_48 : i32
      }
      %scan3A_36 = arith.constant 8 : i32
      "tpu.region"() ({
        %run_scoped3A = tpu.sem_alloc : memref<!tpu.dma_semaphore, #tpu.memory_space<semaphore_mem>>
        %dma_start3A = arith.constant 0 : i32
        %dma_start3A_38 = tpu.memref_slice %arg5[%scan3A_28, %dma_start3A] : memref<116x128xi32, #tpu.memory_space<vmem>> -> memref<1x128xi32, #tpu.memory_space<vmem>>
        %dma_start3A_39 = tpu.memref_squeeze %dma_start3A_38 : memref<1x128xi32, #tpu.memory_space<vmem>> -> memref<128xi32, #tpu.memory_space<vmem>>
        %dma_start3A_40 = arith.constant 0 : i32
        %dma_start3A_41 = arith.constant 0 : i32
        %dma_start3A_42 = tpu.memref_slice %arg9[%dma_start3A_40, %dma_start3A_41] : memref<14848x16xf32, #tpu.memory_space<vmem_shared>> -> memref<14848x16xf32, #tpu.memory_space<vmem_shared>>
        tpu.enqueue_indirect_dma source(%arg7 : memref<128x16xf32, #tpu.memory_space<vmem>>) target(%dma_start3A_42 : memref<14848x16xf32, #tpu.memory_space<vmem_shared>>) offsets(%dma_start3A_39 : memref<128xi32, #tpu.memory_space<vmem>>) semaphore(%run_scoped3A : memref<!tpu.dma_semaphore, #tpu.memory_space<semaphore_mem>>) {add = true}
        %dma_wait3A = arith.constant 0 : i32
        %dma_wait3A_43 = tpu.memref_slice %arg5[%scan3A_28, %dma_wait3A] : memref<116x128xi32, #tpu.memory_space<vmem>> -> memref<1x128xi32, #tpu.memory_space<vmem>>
        %dma_wait3A_44 = tpu.memref_squeeze %dma_wait3A_43 : memref<1x128xi32, #tpu.memory_space<vmem>> -> memref<128xi32, #tpu.memory_space<vmem>>
        %dma_wait3A_45 = arith.constant 0 : i32
        %dma_wait3A_46 = arith.constant 0 : i32
        %dma_wait3A_47 = tpu.memref_slice %arg9[%dma_wait3A_45, %dma_wait3A_46] : memref<14848x16xf32, #tpu.memory_space<vmem_shared>> -> memref<14848x16xf32, #tpu.memory_space<vmem_shared>>
        tpu.wait_indirect_dma semaphore(%run_scoped3A : memref<!tpu.dma_semaphore, #tpu.memory_space<semaphore_mem>>) src(%arg7 : memref<128x16xf32, #tpu.memory_space<vmem>>) dst(%dma_wait3A_47 : memref<14848x16xf32, #tpu.memory_space<vmem_shared>>)
        tpu.yield
      }) : () -> ()
      %scan3A_37 = arith.constant 0 : i32
      scf.yield %scan3A_37 : i32
    }
    %scan3A_22 = arith.constant 116 : i32
    %barrier3A_23 = arith.constant 0 : index
    tpu.barrier barrier_id(%barrier3A_23)
    %mul3A_24 = arith.constant 928 : i32
    %mul3A_25 = arith.muli %arg1, %mul3A_24 : i32
    %mul3A_26 = arith.constant 928 : i32
    %mul3A_27 = arith.muli %arg1, %mul3A_26 : i32
    "tpu.region"() ({
      %run_scoped3A = tpu.sem_alloc : memref<!tpu.dma_semaphore, #tpu.memory_space<semaphore_mem>>
      %dma_start3A = arith.constant 0 : i32
      %dma_start3A_28 = tpu.memref_slice %arg4[%arg0, %mul3A_27, %dma_start3A] : memref<2x14848x16xf32, #tpu.memory_space<hbm>> -> memref<1x928x16xf32, #tpu.memory_space<hbm>>
      %dma_start3A_29 = tpu.memref_squeeze %dma_start3A_28 : memref<1x928x16xf32, #tpu.memory_space<hbm>> -> memref<928x16xf32, #tpu.memory_space<hbm>>
      %dma_start3A_30 = arith.constant 0 : i32
      %dma_start3A_31 = tpu.memref_slice %arg9[%mul3A_25, %dma_start3A_30] : memref<14848x16xf32, #tpu.memory_space<vmem_shared>> -> memref<928x16xf32, #tpu.memory_space<vmem_shared>>
      tpu.enqueue_dma source(%dma_start3A_31 : memref<928x16xf32, #tpu.memory_space<vmem_shared>>) target(%dma_start3A_29 : memref<928x16xf32, #tpu.memory_space<hbm>>) target_semaphore(%run_scoped3A : memref<!tpu.dma_semaphore, #tpu.memory_space<semaphore_mem>>)
      %dma_wait3A = arith.constant 0 : i32
      %dma_wait3A_32 = tpu.memref_slice %arg4[%arg0, %mul3A_27, %dma_wait3A] : memref<2x14848x16xf32, #tpu.memory_space<hbm>> -> memref<1x928x16xf32, #tpu.memory_space<hbm>>
      %dma_wait3A_33 = tpu.memref_squeeze %dma_wait3A_32 : memref<1x928x16xf32, #tpu.memory_space<hbm>> -> memref<928x16xf32, #tpu.memory_space<hbm>>
      %dma_wait3A_34 = arith.constant 0 : i32
      %dma_wait3A_35 = tpu.memref_slice %arg9[%mul3A_25, %dma_wait3A_34] : memref<14848x16xf32, #tpu.memory_space<vmem_shared>> -> memref<928x16xf32, #tpu.memory_space<vmem_shared>>
      tpu.wait_dma2 semaphore(%run_scoped3A : memref<!tpu.dma_semaphore, #tpu.memory_space<semaphore_mem>>) src(%dma_wait3A_35 : memref<928x16xf32, #tpu.memory_space<vmem_shared>>) dst(%dma_wait3A_33 : memref<928x16xf32, #tpu.memory_space<hbm>>)
      tpu.yield
    }) : () -> ()
    return
  }
}

#map = affine_map<(d0, d1) -> (0, 0)>
#map1 = affine_map<(d0, d1) -> (0)>
#map2 = affine_map<(d0, d1) -> (0, 0, 0)>
module attributes {stable_mosaic.version = 14 : i64} {
  func.func @_agg_body(%arg0: i32, %arg1: i32, %arg2: memref<3712x128xi32, #tpu.memory_space<hbm>>, %arg3: memref<3712x128xi32, #tpu.memory_space<hbm>>, %arg4: memref<3712x128xf32, #tpu.memory_space<hbm>>, %arg5: memref<14848xf32, #tpu.memory_space<hbm>>, %arg6: memref<14848x64xf32, #tpu.memory_space<hbm>>, %arg7: memref<14848x64xf32, #tpu.memory_space<hbm>>, %arg8: memref<2x14848x64xf32, #tpu.memory_space<hbm>>, %arg9: memref<116x128xi32, #tpu.memory_space<vmem>>, %arg10: memref<116x128xi32, #tpu.memory_space<vmem>>, %arg11: memref<116x128xf32, #tpu.memory_space<vmem>>, %arg12: memref<14848xf32, #tpu.memory_space<vmem>>, %arg13: memref<128xf32, #tpu.memory_space<vmem>>, %arg14: memref<128x64xf32, #tpu.memory_space<vmem>>, %arg15: memref<14848x64xf32, #tpu.memory_space<vmem_shared>>, %arg16: memref<!tpu.dma_semaphore, #tpu.memory_space<semaphore_mem>>) attributes {dimension_semantics = [#tpu.dimension_semantics<core_parallel>, #tpu.dimension_semantics<subcore_parallel>], iteration_bounds = array<i64: 2, 16>, scalar_prefetch = 0 : i64, scratch_operands = 8 : i64, tpu.core_type = #tpu.core_type<sc_vector_subcore>, window_params = [{transform_indices = #map}, {transform_indices = #map}, {transform_indices = #map}, {transform_indices = #map1}, {transform_indices = #map}, {transform_indices = #map}, {transform_indices = #map2}]} {
    %mul3A = arith.constant 16 : i32
    %mul3A_0 = arith.muli %arg0, %mul3A : i32
    %add3A = arith.addi %mul3A_0, %arg1 : i32
    "tpu.region"() ({
      %run_scoped3A = tpu.sem_alloc : memref<!tpu.dma_semaphore, #tpu.memory_space<semaphore_mem>>
      tpu.enqueue_dma source(%arg5 : memref<14848xf32, #tpu.memory_space<hbm>>) target(%arg12 : memref<14848xf32, #tpu.memory_space<vmem>>) target_semaphore(%run_scoped3A : memref<!tpu.dma_semaphore, #tpu.memory_space<semaphore_mem>>)
      tpu.wait_dma2 semaphore(%run_scoped3A : memref<!tpu.dma_semaphore, #tpu.memory_space<semaphore_mem>>) src(%arg5 : memref<14848xf32, #tpu.memory_space<hbm>>) dst(%arg12 : memref<14848xf32, #tpu.memory_space<vmem>>)
      tpu.yield
    }) : () -> ()
    %mul3A_1 = arith.constant 116 : i32
    %mul3A_2 = arith.muli %add3A, %mul3A_1 : i32
    "tpu.region"() ({
      %run_scoped3A = tpu.sem_alloc : memref<!tpu.dma_semaphore, #tpu.memory_space<semaphore_mem>>
      %dma_start3A = arith.constant 0 : i32
      %dma_start3A_22 = tpu.memref_slice %arg2[%mul3A_2, %dma_start3A] : memref<3712x128xi32, #tpu.memory_space<hbm>> -> memref<116x128xi32, #tpu.memory_space<hbm>>
      %dma_start3A_23 = arith.constant 0 : i32
      %dma_start3A_24 = tpu.memref_slice %arg2[%mul3A_2, %dma_start3A_23] : memref<3712x128xi32, #tpu.memory_space<hbm>> -> memref<116x128xi32, #tpu.memory_space<hbm>>
      tpu.enqueue_dma source(%dma_start3A_24 : memref<116x128xi32, #tpu.memory_space<hbm>>) target(%arg9 : memref<116x128xi32, #tpu.memory_space<vmem>>) target_semaphore(%run_scoped3A : memref<!tpu.dma_semaphore, #tpu.memory_space<semaphore_mem>>)
      %dma_wait3A = arith.constant 0 : i32
      %dma_wait3A_25 = tpu.memref_slice %arg2[%mul3A_2, %dma_wait3A] : memref<3712x128xi32, #tpu.memory_space<hbm>> -> memref<116x128xi32, #tpu.memory_space<hbm>>
      %dma_wait3A_26 = arith.constant 0 : i32
      %dma_wait3A_27 = tpu.memref_slice %arg2[%mul3A_2, %dma_wait3A_26] : memref<3712x128xi32, #tpu.memory_space<hbm>> -> memref<116x128xi32, #tpu.memory_space<hbm>>
      tpu.wait_dma2 semaphore(%run_scoped3A : memref<!tpu.dma_semaphore, #tpu.memory_space<semaphore_mem>>) src(%dma_wait3A_27 : memref<116x128xi32, #tpu.memory_space<hbm>>) dst(%arg9 : memref<116x128xi32, #tpu.memory_space<vmem>>)
      tpu.yield
    }) : () -> ()
    %mul3A_3 = arith.constant 116 : i32
    %mul3A_4 = arith.muli %add3A, %mul3A_3 : i32
    "tpu.region"() ({
      %run_scoped3A = tpu.sem_alloc : memref<!tpu.dma_semaphore, #tpu.memory_space<semaphore_mem>>
      %dma_start3A = arith.constant 0 : i32
      %dma_start3A_22 = tpu.memref_slice %arg3[%mul3A_4, %dma_start3A] : memref<3712x128xi32, #tpu.memory_space<hbm>> -> memref<116x128xi32, #tpu.memory_space<hbm>>
      %dma_start3A_23 = arith.constant 0 : i32
      %dma_start3A_24 = tpu.memref_slice %arg3[%mul3A_4, %dma_start3A_23] : memref<3712x128xi32, #tpu.memory_space<hbm>> -> memref<116x128xi32, #tpu.memory_space<hbm>>
      tpu.enqueue_dma source(%dma_start3A_24 : memref<116x128xi32, #tpu.memory_space<hbm>>) target(%arg10 : memref<116x128xi32, #tpu.memory_space<vmem>>) target_semaphore(%run_scoped3A : memref<!tpu.dma_semaphore, #tpu.memory_space<semaphore_mem>>)
      %dma_wait3A = arith.constant 0 : i32
      %dma_wait3A_25 = tpu.memref_slice %arg3[%mul3A_4, %dma_wait3A] : memref<3712x128xi32, #tpu.memory_space<hbm>> -> memref<116x128xi32, #tpu.memory_space<hbm>>
      %dma_wait3A_26 = arith.constant 0 : i32
      %dma_wait3A_27 = tpu.memref_slice %arg3[%mul3A_4, %dma_wait3A_26] : memref<3712x128xi32, #tpu.memory_space<hbm>> -> memref<116x128xi32, #tpu.memory_space<hbm>>
      tpu.wait_dma2 semaphore(%run_scoped3A : memref<!tpu.dma_semaphore, #tpu.memory_space<semaphore_mem>>) src(%dma_wait3A_27 : memref<116x128xi32, #tpu.memory_space<hbm>>) dst(%arg10 : memref<116x128xi32, #tpu.memory_space<vmem>>)
      tpu.yield
    }) : () -> ()
    %mul3A_5 = arith.constant 116 : i32
    %mul3A_6 = arith.muli %add3A, %mul3A_5 : i32
    "tpu.region"() ({
      %run_scoped3A = tpu.sem_alloc : memref<!tpu.dma_semaphore, #tpu.memory_space<semaphore_mem>>
      %dma_start3A = arith.constant 0 : i32
      %dma_start3A_22 = tpu.memref_slice %arg4[%mul3A_6, %dma_start3A] : memref<3712x128xf32, #tpu.memory_space<hbm>> -> memref<116x128xf32, #tpu.memory_space<hbm>>
      %dma_start3A_23 = arith.constant 0 : i32
      %dma_start3A_24 = tpu.memref_slice %arg4[%mul3A_6, %dma_start3A_23] : memref<3712x128xf32, #tpu.memory_space<hbm>> -> memref<116x128xf32, #tpu.memory_space<hbm>>
      tpu.enqueue_dma source(%dma_start3A_24 : memref<116x128xf32, #tpu.memory_space<hbm>>) target(%arg11 : memref<116x128xf32, #tpu.memory_space<vmem>>) target_semaphore(%run_scoped3A : memref<!tpu.dma_semaphore, #tpu.memory_space<semaphore_mem>>)
      %dma_wait3A = arith.constant 0 : i32
      %dma_wait3A_25 = tpu.memref_slice %arg4[%mul3A_6, %dma_wait3A] : memref<3712x128xf32, #tpu.memory_space<hbm>> -> memref<116x128xf32, #tpu.memory_space<hbm>>
      %dma_wait3A_26 = arith.constant 0 : i32
      %dma_wait3A_27 = tpu.memref_slice %arg4[%mul3A_6, %dma_wait3A_26] : memref<3712x128xf32, #tpu.memory_space<hbm>> -> memref<116x128xf32, #tpu.memory_space<hbm>>
      tpu.wait_dma2 semaphore(%run_scoped3A : memref<!tpu.dma_semaphore, #tpu.memory_space<semaphore_mem>>) src(%dma_wait3A_27 : memref<116x128xf32, #tpu.memory_space<hbm>>) dst(%arg11 : memref<116x128xf32, #tpu.memory_space<vmem>>)
      tpu.yield
    }) : () -> ()
    %mul3A_7 = arith.constant 928 : i32
    %mul3A_8 = arith.muli %arg1, %mul3A_7 : i32
    %mul3A_9 = arith.constant 928 : i32
    %mul3A_10 = arith.muli %arg1, %mul3A_9 : i32
    "tpu.region"() ({
      %run_scoped3A = tpu.sem_alloc : memref<!tpu.dma_semaphore, #tpu.memory_space<semaphore_mem>>
      %dma_start3A = arith.constant 0 : i32
      %dma_start3A_22 = tpu.memref_slice %arg15[%mul3A_10, %dma_start3A] : memref<14848x64xf32, #tpu.memory_space<vmem_shared>> -> memref<928x64xf32, #tpu.memory_space<vmem_shared>>
      %dma_start3A_23 = arith.constant 0 : i32
      %dma_start3A_24 = tpu.memref_slice %arg7[%mul3A_8, %dma_start3A_23] : memref<14848x64xf32, #tpu.memory_space<hbm>> -> memref<928x64xf32, #tpu.memory_space<hbm>>
      tpu.enqueue_dma source(%dma_start3A_24 : memref<928x64xf32, #tpu.memory_space<hbm>>) target(%dma_start3A_22 : memref<928x64xf32, #tpu.memory_space<vmem_shared>>) target_semaphore(%run_scoped3A : memref<!tpu.dma_semaphore, #tpu.memory_space<semaphore_mem>>)
      %dma_wait3A = arith.constant 0 : i32
      %dma_wait3A_25 = tpu.memref_slice %arg15[%mul3A_10, %dma_wait3A] : memref<14848x64xf32, #tpu.memory_space<vmem_shared>> -> memref<928x64xf32, #tpu.memory_space<vmem_shared>>
      %dma_wait3A_26 = arith.constant 0 : i32
      %dma_wait3A_27 = tpu.memref_slice %arg7[%mul3A_8, %dma_wait3A_26] : memref<14848x64xf32, #tpu.memory_space<hbm>> -> memref<928x64xf32, #tpu.memory_space<hbm>>
      tpu.wait_dma2 semaphore(%run_scoped3A : memref<!tpu.dma_semaphore, #tpu.memory_space<semaphore_mem>>) src(%dma_wait3A_27 : memref<928x64xf32, #tpu.memory_space<hbm>>) dst(%dma_wait3A_25 : memref<928x64xf32, #tpu.memory_space<vmem_shared>>)
      tpu.yield
    }) : () -> ()
    %barrier3A = arith.constant 0 : index
    tpu.barrier barrier_id(%barrier3A)
    %scan3A = arith.constant 0 : i32
    %scan3A_11 = arith.constant 0 : i32
    %scan3A_12 = arith.constant 116 : i32
    %scan3A_13 = arith.addi %scan3A_11, %scan3A_12 : i32
    %scan3A_14 = arith.constant 1 : i32
    %scan3A_15 = scf.for %scan3A_22 = %scan3A_11 to %scan3A_13 step %scan3A_14 iter_args(%scan3A_23 = %scan3A) -> (i32)  : i32 {
      %dma_start3A = arith.constant 0 : i32
      %dma_start3A_24 = tpu.memref_slice %arg9[%scan3A_22, %dma_start3A] : memref<116x128xi32, #tpu.memory_space<vmem>> -> memref<1x128xi32, #tpu.memory_space<vmem>>
      %dma_start3A_25 = tpu.memref_squeeze %dma_start3A_24 : memref<1x128xi32, #tpu.memory_space<vmem>> -> memref<128xi32, #tpu.memory_space<vmem>>
      %dma_start3A_26 = arith.constant 0 : i32
      %dma_start3A_27 = arith.constant 0 : i32
      %dma_start3A_28 = tpu.memref_slice %arg6[%dma_start3A_26, %dma_start3A_27] : memref<14848x64xf32, #tpu.memory_space<hbm>> -> memref<14848x64xf32, #tpu.memory_space<hbm>>
      tpu.enqueue_indirect_dma source(%dma_start3A_28 : memref<14848x64xf32, #tpu.memory_space<hbm>>) target(%arg14 : memref<128x64xf32, #tpu.memory_space<vmem>>) offsets(%dma_start3A_25 : memref<128xi32, #tpu.memory_space<vmem>>) semaphore(%arg16 : memref<!tpu.dma_semaphore, #tpu.memory_space<semaphore_mem>>)
      %dma_wait3A = arith.constant 0 : i32
      %dma_wait3A_29 = tpu.memref_slice %arg9[%scan3A_22, %dma_wait3A] : memref<116x128xi32, #tpu.memory_space<vmem>> -> memref<1x128xi32, #tpu.memory_space<vmem>>
      %dma_wait3A_30 = tpu.memref_squeeze %dma_wait3A_29 : memref<1x128xi32, #tpu.memory_space<vmem>> -> memref<128xi32, #tpu.memory_space<vmem>>
      %dma_wait3A_31 = arith.constant 0 : i32
      %dma_wait3A_32 = arith.constant 0 : i32
      %dma_wait3A_33 = tpu.memref_slice %arg6[%dma_wait3A_31, %dma_wait3A_32] : memref<14848x64xf32, #tpu.memory_space<hbm>> -> memref<14848x64xf32, #tpu.memory_space<hbm>>
      tpu.wait_indirect_dma semaphore(%arg16 : memref<!tpu.dma_semaphore, #tpu.memory_space<semaphore_mem>>) src(%dma_wait3A_33 : memref<14848x64xf32, #tpu.memory_space<hbm>>) dst(%arg14 : memref<128x64xf32, #tpu.memory_space<vmem>>)
      %get3A = arith.index_cast %scan3A_22 : i32 to index
      %get3A_34 = arith.constant 0 : index
      %get3A_35 = tpu.vector_load %arg9[%get3A, %get3A_34] {strides = array<i32>} : memref<116x128xi32, #tpu.memory_space<vmem>>, vector<16xi32>,
      %gather3A = tpu.vector_load_idx %arg12[%get3A_35] : memref<14848xf32, #tpu.memory_space<vmem>>[vector<16xi32>], vector<16xf32>,
      %get3A_36 = arith.index_cast %scan3A_22 : i32 to index
      %get3A_37 = arith.constant 0 : index
      %get3A_38 = tpu.vector_load %arg10[%get3A_36, %get3A_37] {strides = array<i32>} : memref<116x128xi32, #tpu.memory_space<vmem>>, vector<16xi32>,
      %gather3A_39 = tpu.vector_load_idx %arg12[%get3A_38] : memref<14848xf32, #tpu.memory_space<vmem>>[vector<16xi32>], vector<16xf32>,
      %get3A_40 = arith.index_cast %scan3A_22 : i32 to index
      %get3A_41 = arith.constant 0 : index
      %get3A_42 = tpu.vector_load %arg11[%get3A_40, %get3A_41] {strides = array<i32>} : memref<116x128xf32, #tpu.memory_space<vmem>>, vector<16xf32>,
      %mul3A_43 = arith.mulf %gather3A, %get3A_42 : vector<16xf32>
      %mul3A_44 = arith.mulf %mul3A_43, %gather3A_39 : vector<16xf32>
      %swap3A = arith.constant 0 : index
      %swap3A_45 = tpu.vector_load %arg13[%swap3A] {strides = array<i32>} : memref<128xf32, #tpu.memory_space<vmem>>, vector<16xf32>,
      tpu.vector_store %arg13[%swap3A], %mul3A_44 {strides = array<i32>} : memref<128xf32, #tpu.memory_space<vmem>>, vector<16xf32>,
      %get3A_46 = arith.index_cast %scan3A_22 : i32 to index
      %get3A_47 = arith.constant 16 : index
      %get3A_48 = tpu.vector_load %arg9[%get3A_46, %get3A_47] {strides = array<i32>} : memref<116x128xi32, #tpu.memory_space<vmem>>, vector<16xi32>,
      %gather3A_49 = tpu.vector_load_idx %arg12[%get3A_48] : memref<14848xf32, #tpu.memory_space<vmem>>[vector<16xi32>], vector<16xf32>,
      %get3A_50 = arith.index_cast %scan3A_22 : i32 to index
      %get3A_51 = arith.constant 16 : index
      %get3A_52 = tpu.vector_load %arg10[%get3A_50, %get3A_51] {strides = array<i32>} : memref<116x128xi32, #tpu.memory_space<vmem>>, vector<16xi32>,
      %gather3A_53 = tpu.vector_load_idx %arg12[%get3A_52] : memref<14848xf32, #tpu.memory_space<vmem>>[vector<16xi32>], vector<16xf32>,
      %get3A_54 = arith.index_cast %scan3A_22 : i32 to index
      %get3A_55 = arith.constant 16 : index
      %get3A_56 = tpu.vector_load %arg11[%get3A_54, %get3A_55] {strides = array<i32>} : memref<116x128xf32, #tpu.memory_space<vmem>>, vector<16xf32>,
      %mul3A_57 = arith.mulf %gather3A_49, %get3A_56 : vector<16xf32>
      %mul3A_58 = arith.mulf %mul3A_57, %gather3A_53 : vector<16xf32>
      %swap3A_59 = arith.constant 16 : index
      %swap3A_60 = tpu.vector_load %arg13[%swap3A_59] {strides = array<i32>} : memref<128xf32, #tpu.memory_space<vmem>>, vector<16xf32>,
      tpu.vector_store %arg13[%swap3A_59], %mul3A_58 {strides = array<i32>} : memref<128xf32, #tpu.memory_space<vmem>>, vector<16xf32>,
      %get3A_61 = arith.index_cast %scan3A_22 : i32 to index
      %get3A_62 = arith.constant 32 : index
      %get3A_63 = tpu.vector_load %arg9[%get3A_61, %get3A_62] {strides = array<i32>} : memref<116x128xi32, #tpu.memory_space<vmem>>, vector<16xi32>,
      %gather3A_64 = tpu.vector_load_idx %arg12[%get3A_63] : memref<14848xf32, #tpu.memory_space<vmem>>[vector<16xi32>], vector<16xf32>,
      %get3A_65 = arith.index_cast %scan3A_22 : i32 to index
      %get3A_66 = arith.constant 32 : index
      %get3A_67 = tpu.vector_load %arg10[%get3A_65, %get3A_66] {strides = array<i32>} : memref<116x128xi32, #tpu.memory_space<vmem>>, vector<16xi32>,
      %gather3A_68 = tpu.vector_load_idx %arg12[%get3A_67] : memref<14848xf32, #tpu.memory_space<vmem>>[vector<16xi32>], vector<16xf32>,
      %get3A_69 = arith.index_cast %scan3A_22 : i32 to index
      %get3A_70 = arith.constant 32 : index
      %get3A_71 = tpu.vector_load %arg11[%get3A_69, %get3A_70] {strides = array<i32>} : memref<116x128xf32, #tpu.memory_space<vmem>>, vector<16xf32>,
      %mul3A_72 = arith.mulf %gather3A_64, %get3A_71 : vector<16xf32>
      %mul3A_73 = arith.mulf %mul3A_72, %gather3A_68 : vector<16xf32>
      %swap3A_74 = arith.constant 32 : index
      %swap3A_75 = tpu.vector_load %arg13[%swap3A_74] {strides = array<i32>} : memref<128xf32, #tpu.memory_space<vmem>>, vector<16xf32>,
      tpu.vector_store %arg13[%swap3A_74], %mul3A_73 {strides = array<i32>} : memref<128xf32, #tpu.memory_space<vmem>>, vector<16xf32>,
      %get3A_76 = arith.index_cast %scan3A_22 : i32 to index
      %get3A_77 = arith.constant 48 : index
      %get3A_78 = tpu.vector_load %arg9[%get3A_76, %get3A_77] {strides = array<i32>} : memref<116x128xi32, #tpu.memory_space<vmem>>, vector<16xi32>,
      %gather3A_79 = tpu.vector_load_idx %arg12[%get3A_78] : memref<14848xf32, #tpu.memory_space<vmem>>[vector<16xi32>], vector<16xf32>,
      %get3A_80 = arith.index_cast %scan3A_22 : i32 to index
      %get3A_81 = arith.constant 48 : index
      %get3A_82 = tpu.vector_load %arg10[%get3A_80, %get3A_81] {strides = array<i32>} : memref<116x128xi32, #tpu.memory_space<vmem>>, vector<16xi32>,
      %gather3A_83 = tpu.vector_load_idx %arg12[%get3A_82] : memref<14848xf32, #tpu.memory_space<vmem>>[vector<16xi32>], vector<16xf32>,
      %get3A_84 = arith.index_cast %scan3A_22 : i32 to index
      %get3A_85 = arith.constant 48 : index
      %get3A_86 = tpu.vector_load %arg11[%get3A_84, %get3A_85] {strides = array<i32>} : memref<116x128xf32, #tpu.memory_space<vmem>>, vector<16xf32>,
      %mul3A_87 = arith.mulf %gather3A_79, %get3A_86 : vector<16xf32>
      %mul3A_88 = arith.mulf %mul3A_87, %gather3A_83 : vector<16xf32>
      %swap3A_89 = arith.constant 48 : index
      %swap3A_90 = tpu.vector_load %arg13[%swap3A_89] {strides = array<i32>} : memref<128xf32, #tpu.memory_space<vmem>>, vector<16xf32>,
      tpu.vector_store %arg13[%swap3A_89], %mul3A_88 {strides = array<i32>} : memref<128xf32, #tpu.memory_space<vmem>>, vector<16xf32>,
      %get3A_91 = arith.index_cast %scan3A_22 : i32 to index
      %get3A_92 = arith.constant 64 : index
      %get3A_93 = tpu.vector_load %arg9[%get3A_91, %get3A_92] {strides = array<i32>} : memref<116x128xi32, #tpu.memory_space<vmem>>, vector<16xi32>,
      %gather3A_94 = tpu.vector_load_idx %arg12[%get3A_93] : memref<14848xf32, #tpu.memory_space<vmem>>[vector<16xi32>], vector<16xf32>,
      %get3A_95 = arith.index_cast %scan3A_22 : i32 to index
      %get3A_96 = arith.constant 64 : index
      %get3A_97 = tpu.vector_load %arg10[%get3A_95, %get3A_96] {strides = array<i32>} : memref<116x128xi32, #tpu.memory_space<vmem>>, vector<16xi32>,
      %gather3A_98 = tpu.vector_load_idx %arg12[%get3A_97] : memref<14848xf32, #tpu.memory_space<vmem>>[vector<16xi32>], vector<16xf32>,
      %get3A_99 = arith.index_cast %scan3A_22 : i32 to index
      %get3A_100 = arith.constant 64 : index
      %get3A_101 = tpu.vector_load %arg11[%get3A_99, %get3A_100] {strides = array<i32>} : memref<116x128xf32, #tpu.memory_space<vmem>>, vector<16xf32>,
      %mul3A_102 = arith.mulf %gather3A_94, %get3A_101 : vector<16xf32>
      %mul3A_103 = arith.mulf %mul3A_102, %gather3A_98 : vector<16xf32>
      %swap3A_104 = arith.constant 64 : index
      %swap3A_105 = tpu.vector_load %arg13[%swap3A_104] {strides = array<i32>} : memref<128xf32, #tpu.memory_space<vmem>>, vector<16xf32>,
      tpu.vector_store %arg13[%swap3A_104], %mul3A_103 {strides = array<i32>} : memref<128xf32, #tpu.memory_space<vmem>>, vector<16xf32>,
      %get3A_106 = arith.index_cast %scan3A_22 : i32 to index
      %get3A_107 = arith.constant 80 : index
      %get3A_108 = tpu.vector_load %arg9[%get3A_106, %get3A_107] {strides = array<i32>} : memref<116x128xi32, #tpu.memory_space<vmem>>, vector<16xi32>,
      %gather3A_109 = tpu.vector_load_idx %arg12[%get3A_108] : memref<14848xf32, #tpu.memory_space<vmem>>[vector<16xi32>], vector<16xf32>,
      %get3A_110 = arith.index_cast %scan3A_22 : i32 to index
      %get3A_111 = arith.constant 80 : index
      %get3A_112 = tpu.vector_load %arg10[%get3A_110, %get3A_111] {strides = array<i32>} : memref<116x128xi32, #tpu.memory_space<vmem>>, vector<16xi32>,
      %gather3A_113 = tpu.vector_load_idx %arg12[%get3A_112] : memref<14848xf32, #tpu.memory_space<vmem>>[vector<16xi32>], vector<16xf32>,
      %get3A_114 = arith.index_cast %scan3A_22 : i32 to index
      %get3A_115 = arith.constant 80 : index
      %get3A_116 = tpu.vector_load %arg11[%get3A_114, %get3A_115] {strides = array<i32>} : memref<116x128xf32, #tpu.memory_space<vmem>>, vector<16xf32>,
      %mul3A_117 = arith.mulf %gather3A_109, %get3A_116 : vector<16xf32>
      %mul3A_118 = arith.mulf %mul3A_117, %gather3A_113 : vector<16xf32>
      %swap3A_119 = arith.constant 80 : index
      %swap3A_120 = tpu.vector_load %arg13[%swap3A_119] {strides = array<i32>} : memref<128xf32, #tpu.memory_space<vmem>>, vector<16xf32>,
      tpu.vector_store %arg13[%swap3A_119], %mul3A_118 {strides = array<i32>} : memref<128xf32, #tpu.memory_space<vmem>>, vector<16xf32>,
      %get3A_121 = arith.index_cast %scan3A_22 : i32 to index
      %get3A_122 = arith.constant 96 : index
      %get3A_123 = tpu.vector_load %arg9[%get3A_121, %get3A_122] {strides = array<i32>} : memref<116x128xi32, #tpu.memory_space<vmem>>, vector<16xi32>,
      %gather3A_124 = tpu.vector_load_idx %arg12[%get3A_123] : memref<14848xf32, #tpu.memory_space<vmem>>[vector<16xi32>], vector<16xf32>,
      %get3A_125 = arith.index_cast %scan3A_22 : i32 to index
      %get3A_126 = arith.constant 96 : index
      %get3A_127 = tpu.vector_load %arg10[%get3A_125, %get3A_126] {strides = array<i32>} : memref<116x128xi32, #tpu.memory_space<vmem>>, vector<16xi32>,
      %gather3A_128 = tpu.vector_load_idx %arg12[%get3A_127] : memref<14848xf32, #tpu.memory_space<vmem>>[vector<16xi32>], vector<16xf32>,
      %get3A_129 = arith.index_cast %scan3A_22 : i32 to index
      %get3A_130 = arith.constant 96 : index
      %get3A_131 = tpu.vector_load %arg11[%get3A_129, %get3A_130] {strides = array<i32>} : memref<116x128xf32, #tpu.memory_space<vmem>>, vector<16xf32>,
      %mul3A_132 = arith.mulf %gather3A_124, %get3A_131 : vector<16xf32>
      %mul3A_133 = arith.mulf %mul3A_132, %gather3A_128 : vector<16xf32>
      %swap3A_134 = arith.constant 96 : index
      %swap3A_135 = tpu.vector_load %arg13[%swap3A_134] {strides = array<i32>} : memref<128xf32, #tpu.memory_space<vmem>>, vector<16xf32>,
      tpu.vector_store %arg13[%swap3A_134], %mul3A_133 {strides = array<i32>} : memref<128xf32, #tpu.memory_space<vmem>>, vector<16xf32>,
      %get3A_136 = arith.index_cast %scan3A_22 : i32 to index
      %get3A_137 = arith.constant 112 : index
      %get3A_138 = tpu.vector_load %arg9[%get3A_136, %get3A_137] {strides = array<i32>} : memref<116x128xi32, #tpu.memory_space<vmem>>, vector<16xi32>,
      %gather3A_139 = tpu.vector_load_idx %arg12[%get3A_138] : memref<14848xf32, #tpu.memory_space<vmem>>[vector<16xi32>], vector<16xf32>,
      %get3A_140 = arith.index_cast %scan3A_22 : i32 to index
      %get3A_141 = arith.constant 112 : index
      %get3A_142 = tpu.vector_load %arg10[%get3A_140, %get3A_141] {strides = array<i32>} : memref<116x128xi32, #tpu.memory_space<vmem>>, vector<16xi32>,
      %gather3A_143 = tpu.vector_load_idx %arg12[%get3A_142] : memref<14848xf32, #tpu.memory_space<vmem>>[vector<16xi32>], vector<16xf32>,
      %get3A_144 = arith.index_cast %scan3A_22 : i32 to index
      %get3A_145 = arith.constant 112 : index
      %get3A_146 = tpu.vector_load %arg11[%get3A_144, %get3A_145] {strides = array<i32>} : memref<116x128xf32, #tpu.memory_space<vmem>>, vector<16xf32>,
      %mul3A_147 = arith.mulf %gather3A_139, %get3A_146 : vector<16xf32>
      %mul3A_148 = arith.mulf %mul3A_147, %gather3A_143 : vector<16xf32>
      %swap3A_149 = arith.constant 112 : index
      %swap3A_150 = tpu.vector_load %arg13[%swap3A_149] {strides = array<i32>} : memref<128xf32, #tpu.memory_space<vmem>>, vector<16xf32>,
      tpu.vector_store %arg13[%swap3A_149], %mul3A_148 {strides = array<i32>} : memref<128xf32, #tpu.memory_space<vmem>>, vector<16xf32>,
      %scan3A_151 = arith.constant 0 : i32
      %scan3A_152 = arith.constant 0 : i32
      %scan3A_153 = arith.constant 8 : i32
      %scan3A_154 = arith.addi %scan3A_152, %scan3A_153 : i32
      %scan3A_155 = arith.constant 1 : i32
      %scan3A_156 = scf.for %scan3A_159 = %scan3A_152 to %scan3A_154 step %scan3A_155 iter_args(%scan3A_160 = %scan3A_151) -> (i32)  : i32 {
        %mul3A_161 = arith.constant 16 : i32
        %mul3A_162 = arith.muli %scan3A_159, %mul3A_161 : i32
        %get3A_163 = arith.index_cast %mul3A_162 : i32 to index
        %get3A_164 = tpu.vector_load %arg13[%get3A_163] {strides = array<i32>} : memref<128xf32, #tpu.memory_space<vmem>>, vector<16xf32>,
        %mul3A_165 = arith.constant 16 : i32
        %mul3A_166 = arith.muli %scan3A_159, %mul3A_165 : i32
        %add3A_167 = arith.constant 0 : i32
        %add3A_168 = arith.addi %mul3A_166, %add3A_167 : i32
        %slice3A = vector.extract_strided_slice %get3A_164 {offsets = [0], sizes = [1], strides = [1]} : vector<16xf32> to vector<1xf32>
        %squeeze3A = vector.extract %slice3A[0] : f32 from vector<1xf32>
        %get3A_169 = arith.index_cast %add3A_168 : i32 to index
        %get3A_170 = arith.constant 0 : index
        %get3A_171 = tpu.vector_load %arg14[%get3A_169, %get3A_170] {strides = array<i32>} : memref<128x64xf32, #tpu.memory_space<vmem>>, vector<16xf32>,
        %mul3A_172 = vector.broadcast %squeeze3A : f32 to vector<16xf32>
        %mul3A_173 = arith.mulf %get3A_171, %mul3A_172 : vector<16xf32>
        %swap3A_174 = arith.index_cast %add3A_168 : i32 to index
        %swap3A_175 = arith.constant 0 : index
        %swap3A_176 = tpu.vector_load %arg14[%swap3A_174, %swap3A_175] {strides = array<i32>} : memref<128x64xf32, #tpu.memory_space<vmem>>, vector<16xf32>,
        tpu.vector_store %arg14[%swap3A_174, %swap3A_175], %mul3A_173 {strides = array<i32>} : memref<128x64xf32, #tpu.memory_space<vmem>>, vector<16xf32>,
        %get3A_177 = arith.index_cast %add3A_168 : i32 to index
        %get3A_178 = arith.constant 16 : index
        %get3A_179 = tpu.vector_load %arg14[%get3A_177, %get3A_178] {strides = array<i32>} : memref<128x64xf32, #tpu.memory_space<vmem>>, vector<16xf32>,
        %mul3A_180 = vector.broadcast %squeeze3A : f32 to vector<16xf32>
        %mul3A_181 = arith.mulf %get3A_179, %mul3A_180 : vector<16xf32>
        %swap3A_182 = arith.index_cast %add3A_168 : i32 to index
        %swap3A_183 = arith.constant 16 : index
        %swap3A_184 = tpu.vector_load %arg14[%swap3A_182, %swap3A_183] {strides = array<i32>} : memref<128x64xf32, #tpu.memory_space<vmem>>, vector<16xf32>,
        tpu.vector_store %arg14[%swap3A_182, %swap3A_183], %mul3A_181 {strides = array<i32>} : memref<128x64xf32, #tpu.memory_space<vmem>>, vector<16xf32>,
        %get3A_185 = arith.index_cast %add3A_168 : i32 to index
        %get3A_186 = arith.constant 32 : index
        %get3A_187 = tpu.vector_load %arg14[%get3A_185, %get3A_186] {strides = array<i32>} : memref<128x64xf32, #tpu.memory_space<vmem>>, vector<16xf32>,
        %mul3A_188 = vector.broadcast %squeeze3A : f32 to vector<16xf32>
        %mul3A_189 = arith.mulf %get3A_187, %mul3A_188 : vector<16xf32>
        %swap3A_190 = arith.index_cast %add3A_168 : i32 to index
        %swap3A_191 = arith.constant 32 : index
        %swap3A_192 = tpu.vector_load %arg14[%swap3A_190, %swap3A_191] {strides = array<i32>} : memref<128x64xf32, #tpu.memory_space<vmem>>, vector<16xf32>,
        tpu.vector_store %arg14[%swap3A_190, %swap3A_191], %mul3A_189 {strides = array<i32>} : memref<128x64xf32, #tpu.memory_space<vmem>>, vector<16xf32>,
        %get3A_193 = arith.index_cast %add3A_168 : i32 to index
        %get3A_194 = arith.constant 48 : index
        %get3A_195 = tpu.vector_load %arg14[%get3A_193, %get3A_194] {strides = array<i32>} : memref<128x64xf32, #tpu.memory_space<vmem>>, vector<16xf32>,
        %mul3A_196 = vector.broadcast %squeeze3A : f32 to vector<16xf32>
        %mul3A_197 = arith.mulf %get3A_195, %mul3A_196 : vector<16xf32>
        %swap3A_198 = arith.index_cast %add3A_168 : i32 to index
        %swap3A_199 = arith.constant 48 : index
        %swap3A_200 = tpu.vector_load %arg14[%swap3A_198, %swap3A_199] {strides = array<i32>} : memref<128x64xf32, #tpu.memory_space<vmem>>, vector<16xf32>,
        tpu.vector_store %arg14[%swap3A_198, %swap3A_199], %mul3A_197 {strides = array<i32>} : memref<128x64xf32, #tpu.memory_space<vmem>>, vector<16xf32>,
        %mul3A_201 = arith.constant 16 : i32
        %mul3A_202 = arith.muli %scan3A_159, %mul3A_201 : i32
        %add3A_203 = arith.constant 1 : i32
        %add3A_204 = arith.addi %mul3A_202, %add3A_203 : i32
        %slice3A_205 = vector.extract_strided_slice %get3A_164 {offsets = [1], sizes = [1], strides = [1]} : vector<16xf32> to vector<1xf32>
        %squeeze3A_206 = vector.extract %slice3A_205[0] : f32 from vector<1xf32>
        %get3A_207 = arith.index_cast %add3A_204 : i32 to index
        %get3A_208 = arith.constant 0 : index
        %get3A_209 = tpu.vector_load %arg14[%get3A_207, %get3A_208] {strides = array<i32>} : memref<128x64xf32, #tpu.memory_space<vmem>>, vector<16xf32>,
        %mul3A_210 = vector.broadcast %squeeze3A_206 : f32 to vector<16xf32>
        %mul3A_211 = arith.mulf %get3A_209, %mul3A_210 : vector<16xf32>
        %swap3A_212 = arith.index_cast %add3A_204 : i32 to index
        %swap3A_213 = arith.constant 0 : index
        %swap3A_214 = tpu.vector_load %arg14[%swap3A_212, %swap3A_213] {strides = array<i32>} : memref<128x64xf32, #tpu.memory_space<vmem>>, vector<16xf32>,
        tpu.vector_store %arg14[%swap3A_212, %swap3A_213], %mul3A_211 {strides = array<i32>} : memref<128x64xf32, #tpu.memory_space<vmem>>, vector<16xf32>,
        %get3A_215 = arith.index_cast %add3A_204 : i32 to index
        %get3A_216 = arith.constant 16 : index
        %get3A_217 = tpu.vector_load %arg14[%get3A_215, %get3A_216] {strides = array<i32>} : memref<128x64xf32, #tpu.memory_space<vmem>>, vector<16xf32>,
        %mul3A_218 = vector.broadcast %squeeze3A_206 : f32 to vector<16xf32>
        %mul3A_219 = arith.mulf %get3A_217, %mul3A_218 : vector<16xf32>
        %swap3A_220 = arith.index_cast %add3A_204 : i32 to index
        %swap3A_221 = arith.constant 16 : index
        %swap3A_222 = tpu.vector_load %arg14[%swap3A_220, %swap3A_221] {strides = array<i32>} : memref<128x64xf32, #tpu.memory_space<vmem>>, vector<16xf32>,
        tpu.vector_store %arg14[%swap3A_220, %swap3A_221], %mul3A_219 {strides = array<i32>} : memref<128x64xf32, #tpu.memory_space<vmem>>, vector<16xf32>,
        %get3A_223 = arith.index_cast %add3A_204 : i32 to index
        %get3A_224 = arith.constant 32 : index
        %get3A_225 = tpu.vector_load %arg14[%get3A_223, %get3A_224] {strides = array<i32>} : memref<128x64xf32, #tpu.memory_space<vmem>>, vector<16xf32>,
        %mul3A_226 = vector.broadcast %squeeze3A_206 : f32 to vector<16xf32>
        %mul3A_227 = arith.mulf %get3A_225, %mul3A_226 : vector<16xf32>
        %swap3A_228 = arith.index_cast %add3A_204 : i32 to index
        %swap3A_229 = arith.constant 32 : index
        %swap3A_230 = tpu.vector_load %arg14[%swap3A_228, %swap3A_229] {strides = array<i32>} : memref<128x64xf32, #tpu.memory_space<vmem>>, vector<16xf32>,
        tpu.vector_store %arg14[%swap3A_228, %swap3A_229], %mul3A_227 {strides = array<i32>} : memref<128x64xf32, #tpu.memory_space<vmem>>, vector<16xf32>,
        %get3A_231 = arith.index_cast %add3A_204 : i32 to index
        %get3A_232 = arith.constant 48 : index
        %get3A_233 = tpu.vector_load %arg14[%get3A_231, %get3A_232] {strides = array<i32>} : memref<128x64xf32, #tpu.memory_space<vmem>>, vector<16xf32>,
        %mul3A_234 = vector.broadcast %squeeze3A_206 : f32 to vector<16xf32>
        %mul3A_235 = arith.mulf %get3A_233, %mul3A_234 : vector<16xf32>
        %swap3A_236 = arith.index_cast %add3A_204 : i32 to index
        %swap3A_237 = arith.constant 48 : index
        %swap3A_238 = tpu.vector_load %arg14[%swap3A_236, %swap3A_237] {strides = array<i32>} : memref<128x64xf32, #tpu.memory_space<vmem>>, vector<16xf32>,
        tpu.vector_store %arg14[%swap3A_236, %swap3A_237], %mul3A_235 {strides = array<i32>} : memref<128x64xf32, #tpu.memory_space<vmem>>, vector<16xf32>,
        %mul3A_239 = arith.constant 16 : i32
        %mul3A_240 = arith.muli %scan3A_159, %mul3A_239 : i32
        %add3A_241 = arith.constant 2 : i32
        %add3A_242 = arith.addi %mul3A_240, %add3A_241 : i32
        %slice3A_243 = vector.extract_strided_slice %get3A_164 {offsets = [2], sizes = [1], strides = [1]} : vector<16xf32> to vector<1xf32>
        %squeeze3A_244 = vector.extract %slice3A_243[0] : f32 from vector<1xf32>
        %get3A_245 = arith.index_cast %add3A_242 : i32 to index
        %get3A_246 = arith.constant 0 : index
        %get3A_247 = tpu.vector_load %arg14[%get3A_245, %get3A_246] {strides = array<i32>} : memref<128x64xf32, #tpu.memory_space<vmem>>, vector<16xf32>,
        %mul3A_248 = vector.broadcast %squeeze3A_244 : f32 to vector<16xf32>
        %mul3A_249 = arith.mulf %get3A_247, %mul3A_248 : vector<16xf32>
        %swap3A_250 = arith.index_cast %add3A_242 : i32 to index
        %swap3A_251 = arith.constant 0 : index
        %swap3A_252 = tpu.vector_load %arg14[%swap3A_250, %swap3A_251] {strides = array<i32>} : memref<128x64xf32, #tpu.memory_space<vmem>>, vector<16xf32>,
        tpu.vector_store %arg14[%swap3A_250, %swap3A_251], %mul3A_249 {strides = array<i32>} : memref<128x64xf32, #tpu.memory_space<vmem>>, vector<16xf32>,
        %get3A_253 = arith.index_cast %add3A_242 : i32 to index
        %get3A_254 = arith.constant 16 : index
        %get3A_255 = tpu.vector_load %arg14[%get3A_253, %get3A_254] {strides = array<i32>} : memref<128x64xf32, #tpu.memory_space<vmem>>, vector<16xf32>,
        %mul3A_256 = vector.broadcast %squeeze3A_244 : f32 to vector<16xf32>
        %mul3A_257 = arith.mulf %get3A_255, %mul3A_256 : vector<16xf32>
        %swap3A_258 = arith.index_cast %add3A_242 : i32 to index
        %swap3A_259 = arith.constant 16 : index
        %swap3A_260 = tpu.vector_load %arg14[%swap3A_258, %swap3A_259] {strides = array<i32>} : memref<128x64xf32, #tpu.memory_space<vmem>>, vector<16xf32>,
        tpu.vector_store %arg14[%swap3A_258, %swap3A_259], %mul3A_257 {strides = array<i32>} : memref<128x64xf32, #tpu.memory_space<vmem>>, vector<16xf32>,
        %get3A_261 = arith.index_cast %add3A_242 : i32 to index
        %get3A_262 = arith.constant 32 : index
        %get3A_263 = tpu.vector_load %arg14[%get3A_261, %get3A_262] {strides = array<i32>} : memref<128x64xf32, #tpu.memory_space<vmem>>, vector<16xf32>,
        %mul3A_264 = vector.broadcast %squeeze3A_244 : f32 to vector<16xf32>
        %mul3A_265 = arith.mulf %get3A_263, %mul3A_264 : vector<16xf32>
        %swap3A_266 = arith.index_cast %add3A_242 : i32 to index
        %swap3A_267 = arith.constant 32 : index
        %swap3A_268 = tpu.vector_load %arg14[%swap3A_266, %swap3A_267] {strides = array<i32>} : memref<128x64xf32, #tpu.memory_space<vmem>>, vector<16xf32>,
        tpu.vector_store %arg14[%swap3A_266, %swap3A_267], %mul3A_265 {strides = array<i32>} : memref<128x64xf32, #tpu.memory_space<vmem>>, vector<16xf32>,
        %get3A_269 = arith.index_cast %add3A_242 : i32 to index
        %get3A_270 = arith.constant 48 : index
        %get3A_271 = tpu.vector_load %arg14[%get3A_269, %get3A_270] {strides = array<i32>} : memref<128x64xf32, #tpu.memory_space<vmem>>, vector<16xf32>,
        %mul3A_272 = vector.broadcast %squeeze3A_244 : f32 to vector<16xf32>
        %mul3A_273 = arith.mulf %get3A_271, %mul3A_272 : vector<16xf32>
        %swap3A_274 = arith.index_cast %add3A_242 : i32 to index
        %swap3A_275 = arith.constant 48 : index
        %swap3A_276 = tpu.vector_load %arg14[%swap3A_274, %swap3A_275] {strides = array<i32>} : memref<128x64xf32, #tpu.memory_space<vmem>>, vector<16xf32>,
        tpu.vector_store %arg14[%swap3A_274, %swap3A_275], %mul3A_273 {strides = array<i32>} : memref<128x64xf32, #tpu.memory_space<vmem>>, vector<16xf32>,
        %mul3A_277 = arith.constant 16 : i32
        %mul3A_278 = arith.muli %scan3A_159, %mul3A_277 : i32
        %add3A_279 = arith.constant 3 : i32
        %add3A_280 = arith.addi %mul3A_278, %add3A_279 : i32
        %slice3A_281 = vector.extract_strided_slice %get3A_164 {offsets = [3], sizes = [1], strides = [1]} : vector<16xf32> to vector<1xf32>
        %squeeze3A_282 = vector.extract %slice3A_281[0] : f32 from vector<1xf32>
        %get3A_283 = arith.index_cast %add3A_280 : i32 to index
        %get3A_284 = arith.constant 0 : index
        %get3A_285 = tpu.vector_load %arg14[%get3A_283, %get3A_284] {strides = array<i32>} : memref<128x64xf32, #tpu.memory_space<vmem>>, vector<16xf32>,
        %mul3A_286 = vector.broadcast %squeeze3A_282 : f32 to vector<16xf32>
        %mul3A_287 = arith.mulf %get3A_285, %mul3A_286 : vector<16xf32>
        %swap3A_288 = arith.index_cast %add3A_280 : i32 to index
        %swap3A_289 = arith.constant 0 : index
        %swap3A_290 = tpu.vector_load %arg14[%swap3A_288, %swap3A_289] {strides = array<i32>} : memref<128x64xf32, #tpu.memory_space<vmem>>, vector<16xf32>,
        tpu.vector_store %arg14[%swap3A_288, %swap3A_289], %mul3A_287 {strides = array<i32>} : memref<128x64xf32, #tpu.memory_space<vmem>>, vector<16xf32>,
        %get3A_291 = arith.index_cast %add3A_280 : i32 to index
        %get3A_292 = arith.constant 16 : index
        %get3A_293 = tpu.vector_load %arg14[%get3A_291, %get3A_292] {strides = array<i32>} : memref<128x64xf32, #tpu.memory_space<vmem>>, vector<16xf32>,
        %mul3A_294 = vector.broadcast %squeeze3A_282 : f32 to vector<16xf32>
        %mul3A_295 = arith.mulf %get3A_293, %mul3A_294 : vector<16xf32>
        %swap3A_296 = arith.index_cast %add3A_280 : i32 to index
        %swap3A_297 = arith.constant 16 : index
        %swap3A_298 = tpu.vector_load %arg14[%swap3A_296, %swap3A_297] {strides = array<i32>} : memref<128x64xf32, #tpu.memory_space<vmem>>, vector<16xf32>,
        tpu.vector_store %arg14[%swap3A_296, %swap3A_297], %mul3A_295 {strides = array<i32>} : memref<128x64xf32, #tpu.memory_space<vmem>>, vector<16xf32>,
        %get3A_299 = arith.index_cast %add3A_280 : i32 to index
        %get3A_300 = arith.constant 32 : index
        %get3A_301 = tpu.vector_load %arg14[%get3A_299, %get3A_300] {strides = array<i32>} : memref<128x64xf32, #tpu.memory_space<vmem>>, vector<16xf32>,
        %mul3A_302 = vector.broadcast %squeeze3A_282 : f32 to vector<16xf32>
        %mul3A_303 = arith.mulf %get3A_301, %mul3A_302 : vector<16xf32>
        %swap3A_304 = arith.index_cast %add3A_280 : i32 to index
        %swap3A_305 = arith.constant 32 : index
        %swap3A_306 = tpu.vector_load %arg14[%swap3A_304, %swap3A_305] {strides = array<i32>} : memref<128x64xf32, #tpu.memory_space<vmem>>, vector<16xf32>,
        tpu.vector_store %arg14[%swap3A_304, %swap3A_305], %mul3A_303 {strides = array<i32>} : memref<128x64xf32, #tpu.memory_space<vmem>>, vector<16xf32>,
        %get3A_307 = arith.index_cast %add3A_280 : i32 to index
        %get3A_308 = arith.constant 48 : index
        %get3A_309 = tpu.vector_load %arg14[%get3A_307, %get3A_308] {strides = array<i32>} : memref<128x64xf32, #tpu.memory_space<vmem>>, vector<16xf32>,
        %mul3A_310 = vector.broadcast %squeeze3A_282 : f32 to vector<16xf32>
        %mul3A_311 = arith.mulf %get3A_309, %mul3A_310 : vector<16xf32>
        %swap3A_312 = arith.index_cast %add3A_280 : i32 to index
        %swap3A_313 = arith.constant 48 : index
        %swap3A_314 = tpu.vector_load %arg14[%swap3A_312, %swap3A_313] {strides = array<i32>} : memref<128x64xf32, #tpu.memory_space<vmem>>, vector<16xf32>,
        tpu.vector_store %arg14[%swap3A_312, %swap3A_313], %mul3A_311 {strides = array<i32>} : memref<128x64xf32, #tpu.memory_space<vmem>>, vector<16xf32>,
        %mul3A_315 = arith.constant 16 : i32
        %mul3A_316 = arith.muli %scan3A_159, %mul3A_315 : i32
        %add3A_317 = arith.constant 4 : i32
        %add3A_318 = arith.addi %mul3A_316, %add3A_317 : i32
        %slice3A_319 = vector.extract_strided_slice %get3A_164 {offsets = [4], sizes = [1], strides = [1]} : vector<16xf32> to vector<1xf32>
        %squeeze3A_320 = vector.extract %slice3A_319[0] : f32 from vector<1xf32>
        %get3A_321 = arith.index_cast %add3A_318 : i32 to index
        %get3A_322 = arith.constant 0 : index
        %get3A_323 = tpu.vector_load %arg14[%get3A_321, %get3A_322] {strides = array<i32>} : memref<128x64xf32, #tpu.memory_space<vmem>>, vector<16xf32>,
        %mul3A_324 = vector.broadcast %squeeze3A_320 : f32 to vector<16xf32>
        %mul3A_325 = arith.mulf %get3A_323, %mul3A_324 : vector<16xf32>
        %swap3A_326 = arith.index_cast %add3A_318 : i32 to index
        %swap3A_327 = arith.constant 0 : index
        %swap3A_328 = tpu.vector_load %arg14[%swap3A_326, %swap3A_327] {strides = array<i32>} : memref<128x64xf32, #tpu.memory_space<vmem>>, vector<16xf32>,
        tpu.vector_store %arg14[%swap3A_326, %swap3A_327], %mul3A_325 {strides = array<i32>} : memref<128x64xf32, #tpu.memory_space<vmem>>, vector<16xf32>,
        %get3A_329 = arith.index_cast %add3A_318 : i32 to index
        %get3A_330 = arith.constant 16 : index
        %get3A_331 = tpu.vector_load %arg14[%get3A_329, %get3A_330] {strides = array<i32>} : memref<128x64xf32, #tpu.memory_space<vmem>>, vector<16xf32>,
        %mul3A_332 = vector.broadcast %squeeze3A_320 : f32 to vector<16xf32>
        %mul3A_333 = arith.mulf %get3A_331, %mul3A_332 : vector<16xf32>
        %swap3A_334 = arith.index_cast %add3A_318 : i32 to index
        %swap3A_335 = arith.constant 16 : index
        %swap3A_336 = tpu.vector_load %arg14[%swap3A_334, %swap3A_335] {strides = array<i32>} : memref<128x64xf32, #tpu.memory_space<vmem>>, vector<16xf32>,
        tpu.vector_store %arg14[%swap3A_334, %swap3A_335], %mul3A_333 {strides = array<i32>} : memref<128x64xf32, #tpu.memory_space<vmem>>, vector<16xf32>,
        %get3A_337 = arith.index_cast %add3A_318 : i32 to index
        %get3A_338 = arith.constant 32 : index
        %get3A_339 = tpu.vector_load %arg14[%get3A_337, %get3A_338] {strides = array<i32>} : memref<128x64xf32, #tpu.memory_space<vmem>>, vector<16xf32>,
        %mul3A_340 = vector.broadcast %squeeze3A_320 : f32 to vector<16xf32>
        %mul3A_341 = arith.mulf %get3A_339, %mul3A_340 : vector<16xf32>
        %swap3A_342 = arith.index_cast %add3A_318 : i32 to index
        %swap3A_343 = arith.constant 32 : index
        %swap3A_344 = tpu.vector_load %arg14[%swap3A_342, %swap3A_343] {strides = array<i32>} : memref<128x64xf32, #tpu.memory_space<vmem>>, vector<16xf32>,
        tpu.vector_store %arg14[%swap3A_342, %swap3A_343], %mul3A_341 {strides = array<i32>} : memref<128x64xf32, #tpu.memory_space<vmem>>, vector<16xf32>,
        %get3A_345 = arith.index_cast %add3A_318 : i32 to index
        %get3A_346 = arith.constant 48 : index
        %get3A_347 = tpu.vector_load %arg14[%get3A_345, %get3A_346] {strides = array<i32>} : memref<128x64xf32, #tpu.memory_space<vmem>>, vector<16xf32>,
        %mul3A_348 = vector.broadcast %squeeze3A_320 : f32 to vector<16xf32>
        %mul3A_349 = arith.mulf %get3A_347, %mul3A_348 : vector<16xf32>
        %swap3A_350 = arith.index_cast %add3A_318 : i32 to index
        %swap3A_351 = arith.constant 48 : index
        %swap3A_352 = tpu.vector_load %arg14[%swap3A_350, %swap3A_351] {strides = array<i32>} : memref<128x64xf32, #tpu.memory_space<vmem>>, vector<16xf32>,
        tpu.vector_store %arg14[%swap3A_350, %swap3A_351], %mul3A_349 {strides = array<i32>} : memref<128x64xf32, #tpu.memory_space<vmem>>, vector<16xf32>,
        %mul3A_353 = arith.constant 16 : i32
        %mul3A_354 = arith.muli %scan3A_159, %mul3A_353 : i32
        %add3A_355 = arith.constant 5 : i32
        %add3A_356 = arith.addi %mul3A_354, %add3A_355 : i32
        %slice3A_357 = vector.extract_strided_slice %get3A_164 {offsets = [5], sizes = [1], strides = [1]} : vector<16xf32> to vector<1xf32>
        %squeeze3A_358 = vector.extract %slice3A_357[0] : f32 from vector<1xf32>
        %get3A_359 = arith.index_cast %add3A_356 : i32 to index
        %get3A_360 = arith.constant 0 : index
        %get3A_361 = tpu.vector_load %arg14[%get3A_359, %get3A_360] {strides = array<i32>} : memref<128x64xf32, #tpu.memory_space<vmem>>, vector<16xf32>,
        %mul3A_362 = vector.broadcast %squeeze3A_358 : f32 to vector<16xf32>
        %mul3A_363 = arith.mulf %get3A_361, %mul3A_362 : vector<16xf32>
        %swap3A_364 = arith.index_cast %add3A_356 : i32 to index
        %swap3A_365 = arith.constant 0 : index
        %swap3A_366 = tpu.vector_load %arg14[%swap3A_364, %swap3A_365] {strides = array<i32>} : memref<128x64xf32, #tpu.memory_space<vmem>>, vector<16xf32>,
        tpu.vector_store %arg14[%swap3A_364, %swap3A_365], %mul3A_363 {strides = array<i32>} : memref<128x64xf32, #tpu.memory_space<vmem>>, vector<16xf32>,
        %get3A_367 = arith.index_cast %add3A_356 : i32 to index
        %get3A_368 = arith.constant 16 : index
        %get3A_369 = tpu.vector_load %arg14[%get3A_367, %get3A_368] {strides = array<i32>} : memref<128x64xf32, #tpu.memory_space<vmem>>, vector<16xf32>,
        %mul3A_370 = vector.broadcast %squeeze3A_358 : f32 to vector<16xf32>
        %mul3A_371 = arith.mulf %get3A_369, %mul3A_370 : vector<16xf32>
        %swap3A_372 = arith.index_cast %add3A_356 : i32 to index
        %swap3A_373 = arith.constant 16 : index
        %swap3A_374 = tpu.vector_load %arg14[%swap3A_372, %swap3A_373] {strides = array<i32>} : memref<128x64xf32, #tpu.memory_space<vmem>>, vector<16xf32>,
        tpu.vector_store %arg14[%swap3A_372, %swap3A_373], %mul3A_371 {strides = array<i32>} : memref<128x64xf32, #tpu.memory_space<vmem>>, vector<16xf32>,
        %get3A_375 = arith.index_cast %add3A_356 : i32 to index
        %get3A_376 = arith.constant 32 : index
        %get3A_377 = tpu.vector_load %arg14[%get3A_375, %get3A_376] {strides = array<i32>} : memref<128x64xf32, #tpu.memory_space<vmem>>, vector<16xf32>,
        %mul3A_378 = vector.broadcast %squeeze3A_358 : f32 to vector<16xf32>
        %mul3A_379 = arith.mulf %get3A_377, %mul3A_378 : vector<16xf32>
        %swap3A_380 = arith.index_cast %add3A_356 : i32 to index
        %swap3A_381 = arith.constant 32 : index
        %swap3A_382 = tpu.vector_load %arg14[%swap3A_380, %swap3A_381] {strides = array<i32>} : memref<128x64xf32, #tpu.memory_space<vmem>>, vector<16xf32>,
        tpu.vector_store %arg14[%swap3A_380, %swap3A_381], %mul3A_379 {strides = array<i32>} : memref<128x64xf32, #tpu.memory_space<vmem>>, vector<16xf32>,
        %get3A_383 = arith.index_cast %add3A_356 : i32 to index
        %get3A_384 = arith.constant 48 : index
        %get3A_385 = tpu.vector_load %arg14[%get3A_383, %get3A_384] {strides = array<i32>} : memref<128x64xf32, #tpu.memory_space<vmem>>, vector<16xf32>,
        %mul3A_386 = vector.broadcast %squeeze3A_358 : f32 to vector<16xf32>
        %mul3A_387 = arith.mulf %get3A_385, %mul3A_386 : vector<16xf32>
        %swap3A_388 = arith.index_cast %add3A_356 : i32 to index
        %swap3A_389 = arith.constant 48 : index
        %swap3A_390 = tpu.vector_load %arg14[%swap3A_388, %swap3A_389] {strides = array<i32>} : memref<128x64xf32, #tpu.memory_space<vmem>>, vector<16xf32>,
        tpu.vector_store %arg14[%swap3A_388, %swap3A_389], %mul3A_387 {strides = array<i32>} : memref<128x64xf32, #tpu.memory_space<vmem>>, vector<16xf32>,
        %mul3A_391 = arith.constant 16 : i32
        %mul3A_392 = arith.muli %scan3A_159, %mul3A_391 : i32
        %add3A_393 = arith.constant 6 : i32
        %add3A_394 = arith.addi %mul3A_392, %add3A_393 : i32
        %slice3A_395 = vector.extract_strided_slice %get3A_164 {offsets = [6], sizes = [1], strides = [1]} : vector<16xf32> to vector<1xf32>
        %squeeze3A_396 = vector.extract %slice3A_395[0] : f32 from vector<1xf32>
        %get3A_397 = arith.index_cast %add3A_394 : i32 to index
        %get3A_398 = arith.constant 0 : index
        %get3A_399 = tpu.vector_load %arg14[%get3A_397, %get3A_398] {strides = array<i32>} : memref<128x64xf32, #tpu.memory_space<vmem>>, vector<16xf32>,
        %mul3A_400 = vector.broadcast %squeeze3A_396 : f32 to vector<16xf32>
        %mul3A_401 = arith.mulf %get3A_399, %mul3A_400 : vector<16xf32>
        %swap3A_402 = arith.index_cast %add3A_394 : i32 to index
        %swap3A_403 = arith.constant 0 : index
        %swap3A_404 = tpu.vector_load %arg14[%swap3A_402, %swap3A_403] {strides = array<i32>} : memref<128x64xf32, #tpu.memory_space<vmem>>, vector<16xf32>,
        tpu.vector_store %arg14[%swap3A_402, %swap3A_403], %mul3A_401 {strides = array<i32>} : memref<128x64xf32, #tpu.memory_space<vmem>>, vector<16xf32>,
        %get3A_405 = arith.index_cast %add3A_394 : i32 to index
        %get3A_406 = arith.constant 16 : index
        %get3A_407 = tpu.vector_load %arg14[%get3A_405, %get3A_406] {strides = array<i32>} : memref<128x64xf32, #tpu.memory_space<vmem>>, vector<16xf32>,
        %mul3A_408 = vector.broadcast %squeeze3A_396 : f32 to vector<16xf32>
        %mul3A_409 = arith.mulf %get3A_407, %mul3A_408 : vector<16xf32>
        %swap3A_410 = arith.index_cast %add3A_394 : i32 to index
        %swap3A_411 = arith.constant 16 : index
        %swap3A_412 = tpu.vector_load %arg14[%swap3A_410, %swap3A_411] {strides = array<i32>} : memref<128x64xf32, #tpu.memory_space<vmem>>, vector<16xf32>,
        tpu.vector_store %arg14[%swap3A_410, %swap3A_411], %mul3A_409 {strides = array<i32>} : memref<128x64xf32, #tpu.memory_space<vmem>>, vector<16xf32>,
        %get3A_413 = arith.index_cast %add3A_394 : i32 to index
        %get3A_414 = arith.constant 32 : index
        %get3A_415 = tpu.vector_load %arg14[%get3A_413, %get3A_414] {strides = array<i32>} : memref<128x64xf32, #tpu.memory_space<vmem>>, vector<16xf32>,
        %mul3A_416 = vector.broadcast %squeeze3A_396 : f32 to vector<16xf32>
        %mul3A_417 = arith.mulf %get3A_415, %mul3A_416 : vector<16xf32>
        %swap3A_418 = arith.index_cast %add3A_394 : i32 to index
        %swap3A_419 = arith.constant 32 : index
        %swap3A_420 = tpu.vector_load %arg14[%swap3A_418, %swap3A_419] {strides = array<i32>} : memref<128x64xf32, #tpu.memory_space<vmem>>, vector<16xf32>,
        tpu.vector_store %arg14[%swap3A_418, %swap3A_419], %mul3A_417 {strides = array<i32>} : memref<128x64xf32, #tpu.memory_space<vmem>>, vector<16xf32>,
        %get3A_421 = arith.index_cast %add3A_394 : i32 to index
        %get3A_422 = arith.constant 48 : index
        %get3A_423 = tpu.vector_load %arg14[%get3A_421, %get3A_422] {strides = array<i32>} : memref<128x64xf32, #tpu.memory_space<vmem>>, vector<16xf32>,
        %mul3A_424 = vector.broadcast %squeeze3A_396 : f32 to vector<16xf32>
        %mul3A_425 = arith.mulf %get3A_423, %mul3A_424 : vector<16xf32>
        %swap3A_426 = arith.index_cast %add3A_394 : i32 to index
        %swap3A_427 = arith.constant 48 : index
        %swap3A_428 = tpu.vector_load %arg14[%swap3A_426, %swap3A_427] {strides = array<i32>} : memref<128x64xf32, #tpu.memory_space<vmem>>, vector<16xf32>,
        tpu.vector_store %arg14[%swap3A_426, %swap3A_427], %mul3A_425 {strides = array<i32>} : memref<128x64xf32, #tpu.memory_space<vmem>>, vector<16xf32>,
        %mul3A_429 = arith.constant 16 : i32
        %mul3A_430 = arith.muli %scan3A_159, %mul3A_429 : i32
        %add3A_431 = arith.constant 7 : i32
        %add3A_432 = arith.addi %mul3A_430, %add3A_431 : i32
        %slice3A_433 = vector.extract_strided_slice %get3A_164 {offsets = [7], sizes = [1], strides = [1]} : vector<16xf32> to vector<1xf32>
        %squeeze3A_434 = vector.extract %slice3A_433[0] : f32 from vector<1xf32>
        %get3A_435 = arith.index_cast %add3A_432 : i32 to index
        %get3A_436 = arith.constant 0 : index
        %get3A_437 = tpu.vector_load %arg14[%get3A_435, %get3A_436] {strides = array<i32>} : memref<128x64xf32, #tpu.memory_space<vmem>>, vector<16xf32>,
        %mul3A_438 = vector.broadcast %squeeze3A_434 : f32 to vector<16xf32>
        %mul3A_439 = arith.mulf %get3A_437, %mul3A_438 : vector<16xf32>
        %swap3A_440 = arith.index_cast %add3A_432 : i32 to index
        %swap3A_441 = arith.constant 0 : index
        %swap3A_442 = tpu.vector_load %arg14[%swap3A_440, %swap3A_441] {strides = array<i32>} : memref<128x64xf32, #tpu.memory_space<vmem>>, vector<16xf32>,
        tpu.vector_store %arg14[%swap3A_440, %swap3A_441], %mul3A_439 {strides = array<i32>} : memref<128x64xf32, #tpu.memory_space<vmem>>, vector<16xf32>,
        %get3A_443 = arith.index_cast %add3A_432 : i32 to index
        %get3A_444 = arith.constant 16 : index
        %get3A_445 = tpu.vector_load %arg14[%get3A_443, %get3A_444] {strides = array<i32>} : memref<128x64xf32, #tpu.memory_space<vmem>>, vector<16xf32>,
        %mul3A_446 = vector.broadcast %squeeze3A_434 : f32 to vector<16xf32>
        %mul3A_447 = arith.mulf %get3A_445, %mul3A_446 : vector<16xf32>
        %swap3A_448 = arith.index_cast %add3A_432 : i32 to index
        %swap3A_449 = arith.constant 16 : index
        %swap3A_450 = tpu.vector_load %arg14[%swap3A_448, %swap3A_449] {strides = array<i32>} : memref<128x64xf32, #tpu.memory_space<vmem>>, vector<16xf32>,
        tpu.vector_store %arg14[%swap3A_448, %swap3A_449], %mul3A_447 {strides = array<i32>} : memref<128x64xf32, #tpu.memory_space<vmem>>, vector<16xf32>,
        %get3A_451 = arith.index_cast %add3A_432 : i32 to index
        %get3A_452 = arith.constant 32 : index
        %get3A_453 = tpu.vector_load %arg14[%get3A_451, %get3A_452] {strides = array<i32>} : memref<128x64xf32, #tpu.memory_space<vmem>>, vector<16xf32>,
        %mul3A_454 = vector.broadcast %squeeze3A_434 : f32 to vector<16xf32>
        %mul3A_455 = arith.mulf %get3A_453, %mul3A_454 : vector<16xf32>
        %swap3A_456 = arith.index_cast %add3A_432 : i32 to index
        %swap3A_457 = arith.constant 32 : index
        %swap3A_458 = tpu.vector_load %arg14[%swap3A_456, %swap3A_457] {strides = array<i32>} : memref<128x64xf32, #tpu.memory_space<vmem>>, vector<16xf32>,
        tpu.vector_store %arg14[%swap3A_456, %swap3A_457], %mul3A_455 {strides = array<i32>} : memref<128x64xf32, #tpu.memory_space<vmem>>, vector<16xf32>,
        %get3A_459 = arith.index_cast %add3A_432 : i32 to index
        %get3A_460 = arith.constant 48 : index
        %get3A_461 = tpu.vector_load %arg14[%get3A_459, %get3A_460] {strides = array<i32>} : memref<128x64xf32, #tpu.memory_space<vmem>>, vector<16xf32>,
        %mul3A_462 = vector.broadcast %squeeze3A_434 : f32 to vector<16xf32>
        %mul3A_463 = arith.mulf %get3A_461, %mul3A_462 : vector<16xf32>
        %swap3A_464 = arith.index_cast %add3A_432 : i32 to index
        %swap3A_465 = arith.constant 48 : index
        %swap3A_466 = tpu.vector_load %arg14[%swap3A_464, %swap3A_465] {strides = array<i32>} : memref<128x64xf32, #tpu.memory_space<vmem>>, vector<16xf32>,
        tpu.vector_store %arg14[%swap3A_464, %swap3A_465], %mul3A_463 {strides = array<i32>} : memref<128x64xf32, #tpu.memory_space<vmem>>, vector<16xf32>,
        %mul3A_467 = arith.constant 16 : i32
        %mul3A_468 = arith.muli %scan3A_159, %mul3A_467 : i32
        %add3A_469 = arith.constant 8 : i32
        %add3A_470 = arith.addi %mul3A_468, %add3A_469 : i32
        %slice3A_471 = vector.extract_strided_slice %get3A_164 {offsets = [8], sizes = [1], strides = [1]} : vector<16xf32> to vector<1xf32>
        %squeeze3A_472 = vector.extract %slice3A_471[0] : f32 from vector<1xf32>
        %get3A_473 = arith.index_cast %add3A_470 : i32 to index
        %get3A_474 = arith.constant 0 : index
        %get3A_475 = tpu.vector_load %arg14[%get3A_473, %get3A_474] {strides = array<i32>} : memref<128x64xf32, #tpu.memory_space<vmem>>, vector<16xf32>,
        %mul3A_476 = vector.broadcast %squeeze3A_472 : f32 to vector<16xf32>
        %mul3A_477 = arith.mulf %get3A_475, %mul3A_476 : vector<16xf32>
        %swap3A_478 = arith.index_cast %add3A_470 : i32 to index
        %swap3A_479 = arith.constant 0 : index
        %swap3A_480 = tpu.vector_load %arg14[%swap3A_478, %swap3A_479] {strides = array<i32>} : memref<128x64xf32, #tpu.memory_space<vmem>>, vector<16xf32>,
        tpu.vector_store %arg14[%swap3A_478, %swap3A_479], %mul3A_477 {strides = array<i32>} : memref<128x64xf32, #tpu.memory_space<vmem>>, vector<16xf32>,
        %get3A_481 = arith.index_cast %add3A_470 : i32 to index
        %get3A_482 = arith.constant 16 : index
        %get3A_483 = tpu.vector_load %arg14[%get3A_481, %get3A_482] {strides = array<i32>} : memref<128x64xf32, #tpu.memory_space<vmem>>, vector<16xf32>,
        %mul3A_484 = vector.broadcast %squeeze3A_472 : f32 to vector<16xf32>
        %mul3A_485 = arith.mulf %get3A_483, %mul3A_484 : vector<16xf32>
        %swap3A_486 = arith.index_cast %add3A_470 : i32 to index
        %swap3A_487 = arith.constant 16 : index
        %swap3A_488 = tpu.vector_load %arg14[%swap3A_486, %swap3A_487] {strides = array<i32>} : memref<128x64xf32, #tpu.memory_space<vmem>>, vector<16xf32>,
        tpu.vector_store %arg14[%swap3A_486, %swap3A_487], %mul3A_485 {strides = array<i32>} : memref<128x64xf32, #tpu.memory_space<vmem>>, vector<16xf32>,
        %get3A_489 = arith.index_cast %add3A_470 : i32 to index
        %get3A_490 = arith.constant 32 : index
        %get3A_491 = tpu.vector_load %arg14[%get3A_489, %get3A_490] {strides = array<i32>} : memref<128x64xf32, #tpu.memory_space<vmem>>, vector<16xf32>,
        %mul3A_492 = vector.broadcast %squeeze3A_472 : f32 to vector<16xf32>
        %mul3A_493 = arith.mulf %get3A_491, %mul3A_492 : vector<16xf32>
        %swap3A_494 = arith.index_cast %add3A_470 : i32 to index
        %swap3A_495 = arith.constant 32 : index
        %swap3A_496 = tpu.vector_load %arg14[%swap3A_494, %swap3A_495] {strides = array<i32>} : memref<128x64xf32, #tpu.memory_space<vmem>>, vector<16xf32>,
        tpu.vector_store %arg14[%swap3A_494, %swap3A_495], %mul3A_493 {strides = array<i32>} : memref<128x64xf32, #tpu.memory_space<vmem>>, vector<16xf32>,
        %get3A_497 = arith.index_cast %add3A_470 : i32 to index
        %get3A_498 = arith.constant 48 : index
        %get3A_499 = tpu.vector_load %arg14[%get3A_497, %get3A_498] {strides = array<i32>} : memref<128x64xf32, #tpu.memory_space<vmem>>, vector<16xf32>,
        %mul3A_500 = vector.broadcast %squeeze3A_472 : f32 to vector<16xf32>
        %mul3A_501 = arith.mulf %get3A_499, %mul3A_500 : vector<16xf32>
        %swap3A_502 = arith.index_cast %add3A_470 : i32 to index
        %swap3A_503 = arith.constant 48 : index
        %swap3A_504 = tpu.vector_load %arg14[%swap3A_502, %swap3A_503] {strides = array<i32>} : memref<128x64xf32, #tpu.memory_space<vmem>>, vector<16xf32>,
        tpu.vector_store %arg14[%swap3A_502, %swap3A_503], %mul3A_501 {strides = array<i32>} : memref<128x64xf32, #tpu.memory_space<vmem>>, vector<16xf32>,
        %mul3A_505 = arith.constant 16 : i32
        %mul3A_506 = arith.muli %scan3A_159, %mul3A_505 : i32
        %add3A_507 = arith.constant 9 : i32
        %add3A_508 = arith.addi %mul3A_506, %add3A_507 : i32
        %slice3A_509 = vector.extract_strided_slice %get3A_164 {offsets = [9], sizes = [1], strides = [1]} : vector<16xf32> to vector<1xf32>
        %squeeze3A_510 = vector.extract %slice3A_509[0] : f32 from vector<1xf32>
        %get3A_511 = arith.index_cast %add3A_508 : i32 to index
        %get3A_512 = arith.constant 0 : index
        %get3A_513 = tpu.vector_load %arg14[%get3A_511, %get3A_512] {strides = array<i32>} : memref<128x64xf32, #tpu.memory_space<vmem>>, vector<16xf32>,
        %mul3A_514 = vector.broadcast %squeeze3A_510 : f32 to vector<16xf32>
        %mul3A_515 = arith.mulf %get3A_513, %mul3A_514 : vector<16xf32>
        %swap3A_516 = arith.index_cast %add3A_508 : i32 to index
        %swap3A_517 = arith.constant 0 : index
        %swap3A_518 = tpu.vector_load %arg14[%swap3A_516, %swap3A_517] {strides = array<i32>} : memref<128x64xf32, #tpu.memory_space<vmem>>, vector<16xf32>,
        tpu.vector_store %arg14[%swap3A_516, %swap3A_517], %mul3A_515 {strides = array<i32>} : memref<128x64xf32, #tpu.memory_space<vmem>>, vector<16xf32>,
        %get3A_519 = arith.index_cast %add3A_508 : i32 to index
        %get3A_520 = arith.constant 16 : index
        %get3A_521 = tpu.vector_load %arg14[%get3A_519, %get3A_520] {strides = array<i32>} : memref<128x64xf32, #tpu.memory_space<vmem>>, vector<16xf32>,
        %mul3A_522 = vector.broadcast %squeeze3A_510 : f32 to vector<16xf32>
        %mul3A_523 = arith.mulf %get3A_521, %mul3A_522 : vector<16xf32>
        %swap3A_524 = arith.index_cast %add3A_508 : i32 to index
        %swap3A_525 = arith.constant 16 : index
        %swap3A_526 = tpu.vector_load %arg14[%swap3A_524, %swap3A_525] {strides = array<i32>} : memref<128x64xf32, #tpu.memory_space<vmem>>, vector<16xf32>,
        tpu.vector_store %arg14[%swap3A_524, %swap3A_525], %mul3A_523 {strides = array<i32>} : memref<128x64xf32, #tpu.memory_space<vmem>>, vector<16xf32>,
        %get3A_527 = arith.index_cast %add3A_508 : i32 to index
        %get3A_528 = arith.constant 32 : index
        %get3A_529 = tpu.vector_load %arg14[%get3A_527, %get3A_528] {strides = array<i32>} : memref<128x64xf32, #tpu.memory_space<vmem>>, vector<16xf32>,
        %mul3A_530 = vector.broadcast %squeeze3A_510 : f32 to vector<16xf32>
        %mul3A_531 = arith.mulf %get3A_529, %mul3A_530 : vector<16xf32>
        %swap3A_532 = arith.index_cast %add3A_508 : i32 to index
        %swap3A_533 = arith.constant 32 : index
        %swap3A_534 = tpu.vector_load %arg14[%swap3A_532, %swap3A_533] {strides = array<i32>} : memref<128x64xf32, #tpu.memory_space<vmem>>, vector<16xf32>,
        tpu.vector_store %arg14[%swap3A_532, %swap3A_533], %mul3A_531 {strides = array<i32>} : memref<128x64xf32, #tpu.memory_space<vmem>>, vector<16xf32>,
        %get3A_535 = arith.index_cast %add3A_508 : i32 to index
        %get3A_536 = arith.constant 48 : index
        %get3A_537 = tpu.vector_load %arg14[%get3A_535, %get3A_536] {strides = array<i32>} : memref<128x64xf32, #tpu.memory_space<vmem>>, vector<16xf32>,
        %mul3A_538 = vector.broadcast %squeeze3A_510 : f32 to vector<16xf32>
        %mul3A_539 = arith.mulf %get3A_537, %mul3A_538 : vector<16xf32>
        %swap3A_540 = arith.index_cast %add3A_508 : i32 to index
        %swap3A_541 = arith.constant 48 : index
        %swap3A_542 = tpu.vector_load %arg14[%swap3A_540, %swap3A_541] {strides = array<i32>} : memref<128x64xf32, #tpu.memory_space<vmem>>, vector<16xf32>,
        tpu.vector_store %arg14[%swap3A_540, %swap3A_541], %mul3A_539 {strides = array<i32>} : memref<128x64xf32, #tpu.memory_space<vmem>>, vector<16xf32>,
        %mul3A_543 = arith.constant 16 : i32
        %mul3A_544 = arith.muli %scan3A_159, %mul3A_543 : i32
        %add3A_545 = arith.constant 10 : i32
        %add3A_546 = arith.addi %mul3A_544, %add3A_545 : i32
        %slice3A_547 = vector.extract_strided_slice %get3A_164 {offsets = [10], sizes = [1], strides = [1]} : vector<16xf32> to vector<1xf32>
        %squeeze3A_548 = vector.extract %slice3A_547[0] : f32 from vector<1xf32>
        %get3A_549 = arith.index_cast %add3A_546 : i32 to index
        %get3A_550 = arith.constant 0 : index
        %get3A_551 = tpu.vector_load %arg14[%get3A_549, %get3A_550] {strides = array<i32>} : memref<128x64xf32, #tpu.memory_space<vmem>>, vector<16xf32>,
        %mul3A_552 = vector.broadcast %squeeze3A_548 : f32 to vector<16xf32>
        %mul3A_553 = arith.mulf %get3A_551, %mul3A_552 : vector<16xf32>
        %swap3A_554 = arith.index_cast %add3A_546 : i32 to index
        %swap3A_555 = arith.constant 0 : index
        %swap3A_556 = tpu.vector_load %arg14[%swap3A_554, %swap3A_555] {strides = array<i32>} : memref<128x64xf32, #tpu.memory_space<vmem>>, vector<16xf32>,
        tpu.vector_store %arg14[%swap3A_554, %swap3A_555], %mul3A_553 {strides = array<i32>} : memref<128x64xf32, #tpu.memory_space<vmem>>, vector<16xf32>,
        %get3A_557 = arith.index_cast %add3A_546 : i32 to index
        %get3A_558 = arith.constant 16 : index
        %get3A_559 = tpu.vector_load %arg14[%get3A_557, %get3A_558] {strides = array<i32>} : memref<128x64xf32, #tpu.memory_space<vmem>>, vector<16xf32>,
        %mul3A_560 = vector.broadcast %squeeze3A_548 : f32 to vector<16xf32>
        %mul3A_561 = arith.mulf %get3A_559, %mul3A_560 : vector<16xf32>
        %swap3A_562 = arith.index_cast %add3A_546 : i32 to index
        %swap3A_563 = arith.constant 16 : index
        %swap3A_564 = tpu.vector_load %arg14[%swap3A_562, %swap3A_563] {strides = array<i32>} : memref<128x64xf32, #tpu.memory_space<vmem>>, vector<16xf32>,
        tpu.vector_store %arg14[%swap3A_562, %swap3A_563], %mul3A_561 {strides = array<i32>} : memref<128x64xf32, #tpu.memory_space<vmem>>, vector<16xf32>,
        %get3A_565 = arith.index_cast %add3A_546 : i32 to index
        %get3A_566 = arith.constant 32 : index
        %get3A_567 = tpu.vector_load %arg14[%get3A_565, %get3A_566] {strides = array<i32>} : memref<128x64xf32, #tpu.memory_space<vmem>>, vector<16xf32>,
        %mul3A_568 = vector.broadcast %squeeze3A_548 : f32 to vector<16xf32>
        %mul3A_569 = arith.mulf %get3A_567, %mul3A_568 : vector<16xf32>
        %swap3A_570 = arith.index_cast %add3A_546 : i32 to index
        %swap3A_571 = arith.constant 32 : index
        %swap3A_572 = tpu.vector_load %arg14[%swap3A_570, %swap3A_571] {strides = array<i32>} : memref<128x64xf32, #tpu.memory_space<vmem>>, vector<16xf32>,
        tpu.vector_store %arg14[%swap3A_570, %swap3A_571], %mul3A_569 {strides = array<i32>} : memref<128x64xf32, #tpu.memory_space<vmem>>, vector<16xf32>,
        %get3A_573 = arith.index_cast %add3A_546 : i32 to index
        %get3A_574 = arith.constant 48 : index
        %get3A_575 = tpu.vector_load %arg14[%get3A_573, %get3A_574] {strides = array<i32>} : memref<128x64xf32, #tpu.memory_space<vmem>>, vector<16xf32>,
        %mul3A_576 = vector.broadcast %squeeze3A_548 : f32 to vector<16xf32>
        %mul3A_577 = arith.mulf %get3A_575, %mul3A_576 : vector<16xf32>
        %swap3A_578 = arith.index_cast %add3A_546 : i32 to index
        %swap3A_579 = arith.constant 48 : index
        %swap3A_580 = tpu.vector_load %arg14[%swap3A_578, %swap3A_579] {strides = array<i32>} : memref<128x64xf32, #tpu.memory_space<vmem>>, vector<16xf32>,
        tpu.vector_store %arg14[%swap3A_578, %swap3A_579], %mul3A_577 {strides = array<i32>} : memref<128x64xf32, #tpu.memory_space<vmem>>, vector<16xf32>,
        %mul3A_581 = arith.constant 16 : i32
        %mul3A_582 = arith.muli %scan3A_159, %mul3A_581 : i32
        %add3A_583 = arith.constant 11 : i32
        %add3A_584 = arith.addi %mul3A_582, %add3A_583 : i32
        %slice3A_585 = vector.extract_strided_slice %get3A_164 {offsets = [11], sizes = [1], strides = [1]} : vector<16xf32> to vector<1xf32>
        %squeeze3A_586 = vector.extract %slice3A_585[0] : f32 from vector<1xf32>
        %get3A_587 = arith.index_cast %add3A_584 : i32 to index
        %get3A_588 = arith.constant 0 : index
        %get3A_589 = tpu.vector_load %arg14[%get3A_587, %get3A_588] {strides = array<i32>} : memref<128x64xf32, #tpu.memory_space<vmem>>, vector<16xf32>,
        %mul3A_590 = vector.broadcast %squeeze3A_586 : f32 to vector<16xf32>
        %mul3A_591 = arith.mulf %get3A_589, %mul3A_590 : vector<16xf32>
        %swap3A_592 = arith.index_cast %add3A_584 : i32 to index
        %swap3A_593 = arith.constant 0 : index
        %swap3A_594 = tpu.vector_load %arg14[%swap3A_592, %swap3A_593] {strides = array<i32>} : memref<128x64xf32, #tpu.memory_space<vmem>>, vector<16xf32>,
        tpu.vector_store %arg14[%swap3A_592, %swap3A_593], %mul3A_591 {strides = array<i32>} : memref<128x64xf32, #tpu.memory_space<vmem>>, vector<16xf32>,
        %get3A_595 = arith.index_cast %add3A_584 : i32 to index
        %get3A_596 = arith.constant 16 : index
        %get3A_597 = tpu.vector_load %arg14[%get3A_595, %get3A_596] {strides = array<i32>} : memref<128x64xf32, #tpu.memory_space<vmem>>, vector<16xf32>,
        %mul3A_598 = vector.broadcast %squeeze3A_586 : f32 to vector<16xf32>
        %mul3A_599 = arith.mulf %get3A_597, %mul3A_598 : vector<16xf32>
        %swap3A_600 = arith.index_cast %add3A_584 : i32 to index
        %swap3A_601 = arith.constant 16 : index
        %swap3A_602 = tpu.vector_load %arg14[%swap3A_600, %swap3A_601] {strides = array<i32>} : memref<128x64xf32, #tpu.memory_space<vmem>>, vector<16xf32>,
        tpu.vector_store %arg14[%swap3A_600, %swap3A_601], %mul3A_599 {strides = array<i32>} : memref<128x64xf32, #tpu.memory_space<vmem>>, vector<16xf32>,
        %get3A_603 = arith.index_cast %add3A_584 : i32 to index
        %get3A_604 = arith.constant 32 : index
        %get3A_605 = tpu.vector_load %arg14[%get3A_603, %get3A_604] {strides = array<i32>} : memref<128x64xf32, #tpu.memory_space<vmem>>, vector<16xf32>,
        %mul3A_606 = vector.broadcast %squeeze3A_586 : f32 to vector<16xf32>
        %mul3A_607 = arith.mulf %get3A_605, %mul3A_606 : vector<16xf32>
        %swap3A_608 = arith.index_cast %add3A_584 : i32 to index
        %swap3A_609 = arith.constant 32 : index
        %swap3A_610 = tpu.vector_load %arg14[%swap3A_608, %swap3A_609] {strides = array<i32>} : memref<128x64xf32, #tpu.memory_space<vmem>>, vector<16xf32>,
        tpu.vector_store %arg14[%swap3A_608, %swap3A_609], %mul3A_607 {strides = array<i32>} : memref<128x64xf32, #tpu.memory_space<vmem>>, vector<16xf32>,
        %get3A_611 = arith.index_cast %add3A_584 : i32 to index
        %get3A_612 = arith.constant 48 : index
        %get3A_613 = tpu.vector_load %arg14[%get3A_611, %get3A_612] {strides = array<i32>} : memref<128x64xf32, #tpu.memory_space<vmem>>, vector<16xf32>,
        %mul3A_614 = vector.broadcast %squeeze3A_586 : f32 to vector<16xf32>
        %mul3A_615 = arith.mulf %get3A_613, %mul3A_614 : vector<16xf32>
        %swap3A_616 = arith.index_cast %add3A_584 : i32 to index
        %swap3A_617 = arith.constant 48 : index
        %swap3A_618 = tpu.vector_load %arg14[%swap3A_616, %swap3A_617] {strides = array<i32>} : memref<128x64xf32, #tpu.memory_space<vmem>>, vector<16xf32>,
        tpu.vector_store %arg14[%swap3A_616, %swap3A_617], %mul3A_615 {strides = array<i32>} : memref<128x64xf32, #tpu.memory_space<vmem>>, vector<16xf32>,
        %mul3A_619 = arith.constant 16 : i32
        %mul3A_620 = arith.muli %scan3A_159, %mul3A_619 : i32
        %add3A_621 = arith.constant 12 : i32
        %add3A_622 = arith.addi %mul3A_620, %add3A_621 : i32
        %slice3A_623 = vector.extract_strided_slice %get3A_164 {offsets = [12], sizes = [1], strides = [1]} : vector<16xf32> to vector<1xf32>
        %squeeze3A_624 = vector.extract %slice3A_623[0] : f32 from vector<1xf32>
        %get3A_625 = arith.index_cast %add3A_622 : i32 to index
        %get3A_626 = arith.constant 0 : index
        %get3A_627 = tpu.vector_load %arg14[%get3A_625, %get3A_626] {strides = array<i32>} : memref<128x64xf32, #tpu.memory_space<vmem>>, vector<16xf32>,
        %mul3A_628 = vector.broadcast %squeeze3A_624 : f32 to vector<16xf32>
        %mul3A_629 = arith.mulf %get3A_627, %mul3A_628 : vector<16xf32>
        %swap3A_630 = arith.index_cast %add3A_622 : i32 to index
        %swap3A_631 = arith.constant 0 : index
        %swap3A_632 = tpu.vector_load %arg14[%swap3A_630, %swap3A_631] {strides = array<i32>} : memref<128x64xf32, #tpu.memory_space<vmem>>, vector<16xf32>,
        tpu.vector_store %arg14[%swap3A_630, %swap3A_631], %mul3A_629 {strides = array<i32>} : memref<128x64xf32, #tpu.memory_space<vmem>>, vector<16xf32>,
        %get3A_633 = arith.index_cast %add3A_622 : i32 to index
        %get3A_634 = arith.constant 16 : index
        %get3A_635 = tpu.vector_load %arg14[%get3A_633, %get3A_634] {strides = array<i32>} : memref<128x64xf32, #tpu.memory_space<vmem>>, vector<16xf32>,
        %mul3A_636 = vector.broadcast %squeeze3A_624 : f32 to vector<16xf32>
        %mul3A_637 = arith.mulf %get3A_635, %mul3A_636 : vector<16xf32>
        %swap3A_638 = arith.index_cast %add3A_622 : i32 to index
        %swap3A_639 = arith.constant 16 : index
        %swap3A_640 = tpu.vector_load %arg14[%swap3A_638, %swap3A_639] {strides = array<i32>} : memref<128x64xf32, #tpu.memory_space<vmem>>, vector<16xf32>,
        tpu.vector_store %arg14[%swap3A_638, %swap3A_639], %mul3A_637 {strides = array<i32>} : memref<128x64xf32, #tpu.memory_space<vmem>>, vector<16xf32>,
        %get3A_641 = arith.index_cast %add3A_622 : i32 to index
        %get3A_642 = arith.constant 32 : index
        %get3A_643 = tpu.vector_load %arg14[%get3A_641, %get3A_642] {strides = array<i32>} : memref<128x64xf32, #tpu.memory_space<vmem>>, vector<16xf32>,
        %mul3A_644 = vector.broadcast %squeeze3A_624 : f32 to vector<16xf32>
        %mul3A_645 = arith.mulf %get3A_643, %mul3A_644 : vector<16xf32>
        %swap3A_646 = arith.index_cast %add3A_622 : i32 to index
        %swap3A_647 = arith.constant 32 : index
        %swap3A_648 = tpu.vector_load %arg14[%swap3A_646, %swap3A_647] {strides = array<i32>} : memref<128x64xf32, #tpu.memory_space<vmem>>, vector<16xf32>,
        tpu.vector_store %arg14[%swap3A_646, %swap3A_647], %mul3A_645 {strides = array<i32>} : memref<128x64xf32, #tpu.memory_space<vmem>>, vector<16xf32>,
        %get3A_649 = arith.index_cast %add3A_622 : i32 to index
        %get3A_650 = arith.constant 48 : index
        %get3A_651 = tpu.vector_load %arg14[%get3A_649, %get3A_650] {strides = array<i32>} : memref<128x64xf32, #tpu.memory_space<vmem>>, vector<16xf32>,
        %mul3A_652 = vector.broadcast %squeeze3A_624 : f32 to vector<16xf32>
        %mul3A_653 = arith.mulf %get3A_651, %mul3A_652 : vector<16xf32>
        %swap3A_654 = arith.index_cast %add3A_622 : i32 to index
        %swap3A_655 = arith.constant 48 : index
        %swap3A_656 = tpu.vector_load %arg14[%swap3A_654, %swap3A_655] {strides = array<i32>} : memref<128x64xf32, #tpu.memory_space<vmem>>, vector<16xf32>,
        tpu.vector_store %arg14[%swap3A_654, %swap3A_655], %mul3A_653 {strides = array<i32>} : memref<128x64xf32, #tpu.memory_space<vmem>>, vector<16xf32>,
        %mul3A_657 = arith.constant 16 : i32
        %mul3A_658 = arith.muli %scan3A_159, %mul3A_657 : i32
        %add3A_659 = arith.constant 13 : i32
        %add3A_660 = arith.addi %mul3A_658, %add3A_659 : i32
        %slice3A_661 = vector.extract_strided_slice %get3A_164 {offsets = [13], sizes = [1], strides = [1]} : vector<16xf32> to vector<1xf32>
        %squeeze3A_662 = vector.extract %slice3A_661[0] : f32 from vector<1xf32>
        %get3A_663 = arith.index_cast %add3A_660 : i32 to index
        %get3A_664 = arith.constant 0 : index
        %get3A_665 = tpu.vector_load %arg14[%get3A_663, %get3A_664] {strides = array<i32>} : memref<128x64xf32, #tpu.memory_space<vmem>>, vector<16xf32>,
        %mul3A_666 = vector.broadcast %squeeze3A_662 : f32 to vector<16xf32>
        %mul3A_667 = arith.mulf %get3A_665, %mul3A_666 : vector<16xf32>
        %swap3A_668 = arith.index_cast %add3A_660 : i32 to index
        %swap3A_669 = arith.constant 0 : index
        %swap3A_670 = tpu.vector_load %arg14[%swap3A_668, %swap3A_669] {strides = array<i32>} : memref<128x64xf32, #tpu.memory_space<vmem>>, vector<16xf32>,
        tpu.vector_store %arg14[%swap3A_668, %swap3A_669], %mul3A_667 {strides = array<i32>} : memref<128x64xf32, #tpu.memory_space<vmem>>, vector<16xf32>,
        %get3A_671 = arith.index_cast %add3A_660 : i32 to index
        %get3A_672 = arith.constant 16 : index
        %get3A_673 = tpu.vector_load %arg14[%get3A_671, %get3A_672] {strides = array<i32>} : memref<128x64xf32, #tpu.memory_space<vmem>>, vector<16xf32>,
        %mul3A_674 = vector.broadcast %squeeze3A_662 : f32 to vector<16xf32>
        %mul3A_675 = arith.mulf %get3A_673, %mul3A_674 : vector<16xf32>
        %swap3A_676 = arith.index_cast %add3A_660 : i32 to index
        %swap3A_677 = arith.constant 16 : index
        %swap3A_678 = tpu.vector_load %arg14[%swap3A_676, %swap3A_677] {strides = array<i32>} : memref<128x64xf32, #tpu.memory_space<vmem>>, vector<16xf32>,
        tpu.vector_store %arg14[%swap3A_676, %swap3A_677], %mul3A_675 {strides = array<i32>} : memref<128x64xf32, #tpu.memory_space<vmem>>, vector<16xf32>,
        %get3A_679 = arith.index_cast %add3A_660 : i32 to index
        %get3A_680 = arith.constant 32 : index
        %get3A_681 = tpu.vector_load %arg14[%get3A_679, %get3A_680] {strides = array<i32>} : memref<128x64xf32, #tpu.memory_space<vmem>>, vector<16xf32>,
        %mul3A_682 = vector.broadcast %squeeze3A_662 : f32 to vector<16xf32>
        %mul3A_683 = arith.mulf %get3A_681, %mul3A_682 : vector<16xf32>
        %swap3A_684 = arith.index_cast %add3A_660 : i32 to index
        %swap3A_685 = arith.constant 32 : index
        %swap3A_686 = tpu.vector_load %arg14[%swap3A_684, %swap3A_685] {strides = array<i32>} : memref<128x64xf32, #tpu.memory_space<vmem>>, vector<16xf32>,
        tpu.vector_store %arg14[%swap3A_684, %swap3A_685], %mul3A_683 {strides = array<i32>} : memref<128x64xf32, #tpu.memory_space<vmem>>, vector<16xf32>,
        %get3A_687 = arith.index_cast %add3A_660 : i32 to index
        %get3A_688 = arith.constant 48 : index
        %get3A_689 = tpu.vector_load %arg14[%get3A_687, %get3A_688] {strides = array<i32>} : memref<128x64xf32, #tpu.memory_space<vmem>>, vector<16xf32>,
        %mul3A_690 = vector.broadcast %squeeze3A_662 : f32 to vector<16xf32>
        %mul3A_691 = arith.mulf %get3A_689, %mul3A_690 : vector<16xf32>
        %swap3A_692 = arith.index_cast %add3A_660 : i32 to index
        %swap3A_693 = arith.constant 48 : index
        %swap3A_694 = tpu.vector_load %arg14[%swap3A_692, %swap3A_693] {strides = array<i32>} : memref<128x64xf32, #tpu.memory_space<vmem>>, vector<16xf32>,
        tpu.vector_store %arg14[%swap3A_692, %swap3A_693], %mul3A_691 {strides = array<i32>} : memref<128x64xf32, #tpu.memory_space<vmem>>, vector<16xf32>,
        %mul3A_695 = arith.constant 16 : i32
        %mul3A_696 = arith.muli %scan3A_159, %mul3A_695 : i32
        %add3A_697 = arith.constant 14 : i32
        %add3A_698 = arith.addi %mul3A_696, %add3A_697 : i32
        %slice3A_699 = vector.extract_strided_slice %get3A_164 {offsets = [14], sizes = [1], strides = [1]} : vector<16xf32> to vector<1xf32>
        %squeeze3A_700 = vector.extract %slice3A_699[0] : f32 from vector<1xf32>
        %get3A_701 = arith.index_cast %add3A_698 : i32 to index
        %get3A_702 = arith.constant 0 : index
        %get3A_703 = tpu.vector_load %arg14[%get3A_701, %get3A_702] {strides = array<i32>} : memref<128x64xf32, #tpu.memory_space<vmem>>, vector<16xf32>,
        %mul3A_704 = vector.broadcast %squeeze3A_700 : f32 to vector<16xf32>
        %mul3A_705 = arith.mulf %get3A_703, %mul3A_704 : vector<16xf32>
        %swap3A_706 = arith.index_cast %add3A_698 : i32 to index
        %swap3A_707 = arith.constant 0 : index
        %swap3A_708 = tpu.vector_load %arg14[%swap3A_706, %swap3A_707] {strides = array<i32>} : memref<128x64xf32, #tpu.memory_space<vmem>>, vector<16xf32>,
        tpu.vector_store %arg14[%swap3A_706, %swap3A_707], %mul3A_705 {strides = array<i32>} : memref<128x64xf32, #tpu.memory_space<vmem>>, vector<16xf32>,
        %get3A_709 = arith.index_cast %add3A_698 : i32 to index
        %get3A_710 = arith.constant 16 : index
        %get3A_711 = tpu.vector_load %arg14[%get3A_709, %get3A_710] {strides = array<i32>} : memref<128x64xf32, #tpu.memory_space<vmem>>, vector<16xf32>,
        %mul3A_712 = vector.broadcast %squeeze3A_700 : f32 to vector<16xf32>
        %mul3A_713 = arith.mulf %get3A_711, %mul3A_712 : vector<16xf32>
        %swap3A_714 = arith.index_cast %add3A_698 : i32 to index
        %swap3A_715 = arith.constant 16 : index
        %swap3A_716 = tpu.vector_load %arg14[%swap3A_714, %swap3A_715] {strides = array<i32>} : memref<128x64xf32, #tpu.memory_space<vmem>>, vector<16xf32>,
        tpu.vector_store %arg14[%swap3A_714, %swap3A_715], %mul3A_713 {strides = array<i32>} : memref<128x64xf32, #tpu.memory_space<vmem>>, vector<16xf32>,
        %get3A_717 = arith.index_cast %add3A_698 : i32 to index
        %get3A_718 = arith.constant 32 : index
        %get3A_719 = tpu.vector_load %arg14[%get3A_717, %get3A_718] {strides = array<i32>} : memref<128x64xf32, #tpu.memory_space<vmem>>, vector<16xf32>,
        %mul3A_720 = vector.broadcast %squeeze3A_700 : f32 to vector<16xf32>
        %mul3A_721 = arith.mulf %get3A_719, %mul3A_720 : vector<16xf32>
        %swap3A_722 = arith.index_cast %add3A_698 : i32 to index
        %swap3A_723 = arith.constant 32 : index
        %swap3A_724 = tpu.vector_load %arg14[%swap3A_722, %swap3A_723] {strides = array<i32>} : memref<128x64xf32, #tpu.memory_space<vmem>>, vector<16xf32>,
        tpu.vector_store %arg14[%swap3A_722, %swap3A_723], %mul3A_721 {strides = array<i32>} : memref<128x64xf32, #tpu.memory_space<vmem>>, vector<16xf32>,
        %get3A_725 = arith.index_cast %add3A_698 : i32 to index
        %get3A_726 = arith.constant 48 : index
        %get3A_727 = tpu.vector_load %arg14[%get3A_725, %get3A_726] {strides = array<i32>} : memref<128x64xf32, #tpu.memory_space<vmem>>, vector<16xf32>,
        %mul3A_728 = vector.broadcast %squeeze3A_700 : f32 to vector<16xf32>
        %mul3A_729 = arith.mulf %get3A_727, %mul3A_728 : vector<16xf32>
        %swap3A_730 = arith.index_cast %add3A_698 : i32 to index
        %swap3A_731 = arith.constant 48 : index
        %swap3A_732 = tpu.vector_load %arg14[%swap3A_730, %swap3A_731] {strides = array<i32>} : memref<128x64xf32, #tpu.memory_space<vmem>>, vector<16xf32>,
        tpu.vector_store %arg14[%swap3A_730, %swap3A_731], %mul3A_729 {strides = array<i32>} : memref<128x64xf32, #tpu.memory_space<vmem>>, vector<16xf32>,
        %mul3A_733 = arith.constant 16 : i32
        %mul3A_734 = arith.muli %scan3A_159, %mul3A_733 : i32
        %add3A_735 = arith.constant 15 : i32
        %add3A_736 = arith.addi %mul3A_734, %add3A_735 : i32
        %slice3A_737 = vector.extract_strided_slice %get3A_164 {offsets = [15], sizes = [1], strides = [1]} : vector<16xf32> to vector<1xf32>
        %squeeze3A_738 = vector.extract %slice3A_737[0] : f32 from vector<1xf32>
        %get3A_739 = arith.index_cast %add3A_736 : i32 to index
        %get3A_740 = arith.constant 0 : index
        %get3A_741 = tpu.vector_load %arg14[%get3A_739, %get3A_740] {strides = array<i32>} : memref<128x64xf32, #tpu.memory_space<vmem>>, vector<16xf32>,
        %mul3A_742 = vector.broadcast %squeeze3A_738 : f32 to vector<16xf32>
        %mul3A_743 = arith.mulf %get3A_741, %mul3A_742 : vector<16xf32>
        %swap3A_744 = arith.index_cast %add3A_736 : i32 to index
        %swap3A_745 = arith.constant 0 : index
        %swap3A_746 = tpu.vector_load %arg14[%swap3A_744, %swap3A_745] {strides = array<i32>} : memref<128x64xf32, #tpu.memory_space<vmem>>, vector<16xf32>,
        tpu.vector_store %arg14[%swap3A_744, %swap3A_745], %mul3A_743 {strides = array<i32>} : memref<128x64xf32, #tpu.memory_space<vmem>>, vector<16xf32>,
        %get3A_747 = arith.index_cast %add3A_736 : i32 to index
        %get3A_748 = arith.constant 16 : index
        %get3A_749 = tpu.vector_load %arg14[%get3A_747, %get3A_748] {strides = array<i32>} : memref<128x64xf32, #tpu.memory_space<vmem>>, vector<16xf32>,
        %mul3A_750 = vector.broadcast %squeeze3A_738 : f32 to vector<16xf32>
        %mul3A_751 = arith.mulf %get3A_749, %mul3A_750 : vector<16xf32>
        %swap3A_752 = arith.index_cast %add3A_736 : i32 to index
        %swap3A_753 = arith.constant 16 : index
        %swap3A_754 = tpu.vector_load %arg14[%swap3A_752, %swap3A_753] {strides = array<i32>} : memref<128x64xf32, #tpu.memory_space<vmem>>, vector<16xf32>,
        tpu.vector_store %arg14[%swap3A_752, %swap3A_753], %mul3A_751 {strides = array<i32>} : memref<128x64xf32, #tpu.memory_space<vmem>>, vector<16xf32>,
        %get3A_755 = arith.index_cast %add3A_736 : i32 to index
        %get3A_756 = arith.constant 32 : index
        %get3A_757 = tpu.vector_load %arg14[%get3A_755, %get3A_756] {strides = array<i32>} : memref<128x64xf32, #tpu.memory_space<vmem>>, vector<16xf32>,
        %mul3A_758 = vector.broadcast %squeeze3A_738 : f32 to vector<16xf32>
        %mul3A_759 = arith.mulf %get3A_757, %mul3A_758 : vector<16xf32>
        %swap3A_760 = arith.index_cast %add3A_736 : i32 to index
        %swap3A_761 = arith.constant 32 : index
        %swap3A_762 = tpu.vector_load %arg14[%swap3A_760, %swap3A_761] {strides = array<i32>} : memref<128x64xf32, #tpu.memory_space<vmem>>, vector<16xf32>,
        tpu.vector_store %arg14[%swap3A_760, %swap3A_761], %mul3A_759 {strides = array<i32>} : memref<128x64xf32, #tpu.memory_space<vmem>>, vector<16xf32>,
        %get3A_763 = arith.index_cast %add3A_736 : i32 to index
        %get3A_764 = arith.constant 48 : index
        %get3A_765 = tpu.vector_load %arg14[%get3A_763, %get3A_764] {strides = array<i32>} : memref<128x64xf32, #tpu.memory_space<vmem>>, vector<16xf32>,
        %mul3A_766 = vector.broadcast %squeeze3A_738 : f32 to vector<16xf32>
        %mul3A_767 = arith.mulf %get3A_765, %mul3A_766 : vector<16xf32>
        %swap3A_768 = arith.index_cast %add3A_736 : i32 to index
        %swap3A_769 = arith.constant 48 : index
        %swap3A_770 = tpu.vector_load %arg14[%swap3A_768, %swap3A_769] {strides = array<i32>} : memref<128x64xf32, #tpu.memory_space<vmem>>, vector<16xf32>,
        tpu.vector_store %arg14[%swap3A_768, %swap3A_769], %mul3A_767 {strides = array<i32>} : memref<128x64xf32, #tpu.memory_space<vmem>>, vector<16xf32>,
        %scan3A_771 = arith.constant 0 : i32
        scf.yield %scan3A_771 : i32
      }
      %scan3A_157 = arith.constant 8 : i32
      "tpu.region"() ({
        %run_scoped3A = tpu.sem_alloc : memref<!tpu.dma_semaphore, #tpu.memory_space<semaphore_mem>>
        %dma_start3A_159 = arith.constant 0 : i32
        %dma_start3A_160 = tpu.memref_slice %arg10[%scan3A_22, %dma_start3A_159] : memref<116x128xi32, #tpu.memory_space<vmem>> -> memref<1x128xi32, #tpu.memory_space<vmem>>
        %dma_start3A_161 = tpu.memref_squeeze %dma_start3A_160 : memref<1x128xi32, #tpu.memory_space<vmem>> -> memref<128xi32, #tpu.memory_space<vmem>>
        %dma_start3A_162 = arith.constant 0 : i32
        %dma_start3A_163 = arith.constant 0 : i32
        %dma_start3A_164 = tpu.memref_slice %arg15[%dma_start3A_162, %dma_start3A_163] : memref<14848x64xf32, #tpu.memory_space<vmem_shared>> -> memref<14848x64xf32, #tpu.memory_space<vmem_shared>>
        tpu.enqueue_indirect_dma source(%arg14 : memref<128x64xf32, #tpu.memory_space<vmem>>) target(%dma_start3A_164 : memref<14848x64xf32, #tpu.memory_space<vmem_shared>>) offsets(%dma_start3A_161 : memref<128xi32, #tpu.memory_space<vmem>>) semaphore(%run_scoped3A : memref<!tpu.dma_semaphore, #tpu.memory_space<semaphore_mem>>) {add = true}
        %dma_wait3A_165 = arith.constant 0 : i32
        %dma_wait3A_166 = tpu.memref_slice %arg10[%scan3A_22, %dma_wait3A_165] : memref<116x128xi32, #tpu.memory_space<vmem>> -> memref<1x128xi32, #tpu.memory_space<vmem>>
        %dma_wait3A_167 = tpu.memref_squeeze %dma_wait3A_166 : memref<1x128xi32, #tpu.memory_space<vmem>> -> memref<128xi32, #tpu.memory_space<vmem>>
        %dma_wait3A_168 = arith.constant 0 : i32
        %dma_wait3A_169 = arith.constant 0 : i32
        %dma_wait3A_170 = tpu.memref_slice %arg15[%dma_wait3A_168, %dma_wait3A_169] : memref<14848x64xf32, #tpu.memory_space<vmem_shared>> -> memref<14848x64xf32, #tpu.memory_space<vmem_shared>>
        tpu.wait_indirect_dma semaphore(%run_scoped3A : memref<!tpu.dma_semaphore, #tpu.memory_space<semaphore_mem>>) src(%arg14 : memref<128x64xf32, #tpu.memory_space<vmem>>) dst(%dma_wait3A_170 : memref<14848x64xf32, #tpu.memory_space<vmem_shared>>)
        tpu.yield
      }) : () -> ()
      %scan3A_158 = arith.constant 0 : i32
      scf.yield %scan3A_158 : i32
    }
    %scan3A_16 = arith.constant 116 : i32
    %barrier3A_17 = arith.constant 0 : index
    tpu.barrier barrier_id(%barrier3A_17)
    %mul3A_18 = arith.constant 928 : i32
    %mul3A_19 = arith.muli %arg1, %mul3A_18 : i32
    %mul3A_20 = arith.constant 928 : i32
    %mul3A_21 = arith.muli %arg1, %mul3A_20 : i32
    "tpu.region"() ({
      %run_scoped3A = tpu.sem_alloc : memref<!tpu.dma_semaphore, #tpu.memory_space<semaphore_mem>>
      %dma_start3A = arith.constant 0 : i32
      %dma_start3A_22 = tpu.memref_slice %arg8[%arg0, %mul3A_21, %dma_start3A] : memref<2x14848x64xf32, #tpu.memory_space<hbm>> -> memref<1x928x64xf32, #tpu.memory_space<hbm>>
      %dma_start3A_23 = tpu.memref_squeeze %dma_start3A_22 : memref<1x928x64xf32, #tpu.memory_space<hbm>> -> memref<928x64xf32, #tpu.memory_space<hbm>>
      %dma_start3A_24 = arith.constant 0 : i32
      %dma_start3A_25 = tpu.memref_slice %arg15[%mul3A_19, %dma_start3A_24] : memref<14848x64xf32, #tpu.memory_space<vmem_shared>> -> memref<928x64xf32, #tpu.memory_space<vmem_shared>>
      tpu.enqueue_dma source(%dma_start3A_25 : memref<928x64xf32, #tpu.memory_space<vmem_shared>>) target(%dma_start3A_23 : memref<928x64xf32, #tpu.memory_space<hbm>>) target_semaphore(%run_scoped3A : memref<!tpu.dma_semaphore, #tpu.memory_space<semaphore_mem>>)
      %dma_wait3A = arith.constant 0 : i32
      %dma_wait3A_26 = tpu.memref_slice %arg8[%arg0, %mul3A_21, %dma_wait3A] : memref<2x14848x64xf32, #tpu.memory_space<hbm>> -> memref<1x928x64xf32, #tpu.memory_space<hbm>>
      %dma_wait3A_27 = tpu.memref_squeeze %dma_wait3A_26 : memref<1x928x64xf32, #tpu.memory_space<hbm>> -> memref<928x64xf32, #tpu.memory_space<hbm>>
      %dma_wait3A_28 = arith.constant 0 : i32
      %dma_wait3A_29 = tpu.memref_slice %arg15[%mul3A_19, %dma_wait3A_28] : memref<14848x64xf32, #tpu.memory_space<vmem_shared>> -> memref<928x64xf32, #tpu.memory_space<vmem_shared>>
      tpu.wait_dma2 semaphore(%run_scoped3A : memref<!tpu.dma_semaphore, #tpu.memory_space<semaphore_mem>>) src(%dma_wait3A_29 : memref<928x64xf32, #tpu.memory_space<vmem_shared>>) dst(%dma_wait3A_27 : memref<928x64xf32, #tpu.memory_space<hbm>>)
      tpu.yield
    }) : () -> ()
    return
  }
}

module attributes {stable_mosaic.version = 14 : i64} {
  func.func @_q_body(%arg0: i32, %arg1: memref<1856x115xf32, #tpu.memory_space<vmem>>, %arg2: memref<115x2xf32, #tpu.memory_space<vmem>>, %arg3: memref<1856x2xf32, #tpu.memory_space<vmem>>) attributes {dimension_semantics = [#tpu.dimension_semantics<arbitrary>], iteration_bounds = array<i64: 8>, scalar_prefetch = 0 : i64, scratch_operands = 0 : i64, tpu.core_type = #tpu.core_type<tc>, window_params = [{transform_indices = @transform_0, window_bounds = array<i64: 1856, 115>}, {pipeline_mode = #tpu.pipeline_mode<synchronous>, transform_indices = @transform_1, window_bounds = array<i64: 115, 2>}, {transform_indices = @transform_2, window_bounds = array<i64: 1856, 2>}]} {
    %get3A = arith.constant 0 : index
    %get3A_0 = arith.constant 0 : index
    %get3A_1 = vector.load %arg1[%get3A, %get3A_0] : memref<1856x115xf32, #tpu.memory_space<vmem>>, vector<1856x115xf32>
    %get3A_2 = arith.constant 0 : index
    %get3A_3 = arith.constant 0 : index
    %get3A_4 = vector.load %arg2[%get3A_2, %get3A_3] : memref<115x2xf32, #tpu.memory_space<vmem>>, vector<115x2xf32>
    %dot_general3A = arith.constant dense<0.000000e+00> : vector<1856x2xf32>
    %dot_general3A_5 = tpu.matmul %get3A_1, %get3A_4, %dot_general3A {dimension_numbers = #tpu.dot_dimension_numbers<[1], [0], [0], [1], [0, 0, 1, 1], [], []>, transpose_lhs_hint = false} : vector<1856x115xf32>, vector<115x2xf32>, vector<1856x2xf32> -> vector<1856x2xf32>
    %swap3A = arith.constant 0 : index
    %swap3A_6 = arith.constant 0 : index
    %swap3A_7 = vector.load %arg3[%swap3A, %swap3A_6] : memref<1856x2xf32, #tpu.memory_space<vmem>>, vector<1856x2xf32>
    tpu.vector_store %arg3[%swap3A, %swap3A_6], %dot_general3A_5 {strides = array<i32>} : memref<1856x2xf32, #tpu.memory_space<vmem>>, vector<1856x2xf32>,
    return
  }
  func.func @transform_0(%arg0: i32) -> (i32, i32) {
    %c0_i32 = arith.constant 0 : i32
    %c0_i32_0 = arith.constant 0 : i32
    return %arg0, %c0_i32 : i32, i32
  }
  func.func @transform_1(%arg0: i32) -> (i32, i32) {
    %c0_i32 = arith.constant 0 : i32
    %c0_i32_0 = arith.constant 0 : i32
    %c0_i32_1 = arith.constant 0 : i32
    return %c0_i32, %c0_i32_0 : i32, i32
  }
  func.func @transform_2(%arg0: i32) -> (i32, i32) {
    %c0_i32 = arith.constant 0 : i32
    %c0_i32_0 = arith.constant 0 : i32
    return %arg0, %c0_i32 : i32, i32
  }
}

module attributes {stable_mosaic.version = 14 : i64} {
  func.func @_mlp_body(%arg0: memref<64x116xf32, #tpu.memory_space<vmem>>, %arg1: memref<64x116xf32, #tpu.memory_space<vmem>>, %arg2: memref<116x58xf32, #tpu.memory_space<vmem>>, %arg3: memref<1x58xf32, #tpu.memory_space<vmem>>, %arg4: memref<58x116xf32, #tpu.memory_space<vmem>>, %arg5: memref<1x116xf32, #tpu.memory_space<vmem>>, %arg6: memref<64x116xf32, #tpu.memory_space<vmem>>) attributes {dimension_semantics = [], scalar_prefetch = 0 : i64, scratch_operands = 0 : i64, tpu.core_type = #tpu.core_type<tc>} {
    %get3A = arith.constant 0 : index
    %get3A_0 = arith.constant 0 : index
    %get3A_1 = vector.load %arg0[%get3A, %get3A_0] : memref<64x116xf32, #tpu.memory_space<vmem>>, vector<64x116xf32>
    %get3A_2 = arith.constant 0 : index
    %get3A_3 = arith.constant 0 : index
    %get3A_4 = vector.load %arg1[%get3A_2, %get3A_3] : memref<64x116xf32, #tpu.memory_space<vmem>>, vector<64x116xf32>
    %add3A = arith.addf %get3A_1, %get3A_4 : vector<64x116xf32>
    %get3A_5 = arith.constant 0 : index
    %get3A_6 = arith.constant 0 : index
    %get3A_7 = vector.load %arg2[%get3A_5, %get3A_6] : memref<116x58xf32, #tpu.memory_space<vmem>>, vector<116x58xf32>
    %dot_general3A = arith.constant dense<0.000000e+00> : vector<64x58xf32>
    %dot_general3A_8 = tpu.matmul %add3A, %get3A_7, %dot_general3A {dimension_numbers = #tpu.dot_dimension_numbers<[1], [0], [0], [1], [0, 0, 1, 1], [], []>, transpose_lhs_hint = false} : vector<64x116xf32>, vector<116x58xf32>, vector<64x58xf32> -> vector<64x58xf32>
    %get3A_9 = arith.constant 0 : index
    %get3A_10 = arith.constant 0 : index
    %get3A_11 = vector.load %arg3[%get3A_9, %get3A_10] : memref<1x58xf32, #tpu.memory_space<vmem>>, vector<1x58xf32>
    %add3A_12 = vector.broadcast %get3A_11 : vector<1x58xf32> to vector<64x58xf32>
    %add3A_13 = arith.addf %dot_general3A_8, %add3A_12 : vector<64x58xf32>
    %max3A = arith.constant 0.000000e+00 : f32
    %max3A_14 = vector.broadcast %max3A : f32 to vector<64x58xf32>
    %max3A_15 = arith.maximumf %add3A_13, %max3A_14 : vector<64x58xf32>
    %get3A_16 = arith.constant 0 : index
    %get3A_17 = arith.constant 0 : index
    %get3A_18 = vector.load %arg4[%get3A_16, %get3A_17] : memref<58x116xf32, #tpu.memory_space<vmem>>, vector<58x116xf32>
    %dot_general3A_19 = arith.constant dense<0.000000e+00> : vector<64x116xf32>
    %dot_general3A_20 = tpu.matmul %max3A_15, %get3A_18, %dot_general3A_19 {dimension_numbers = #tpu.dot_dimension_numbers<[1], [0], [0], [1], [0, 0, 1, 1], [], []>, transpose_lhs_hint = false} : vector<64x58xf32>, vector<58x116xf32>, vector<64x116xf32> -> vector<64x116xf32>
    %get3A_21 = arith.constant 0 : index
    %get3A_22 = arith.constant 0 : index
    %get3A_23 = vector.load %arg5[%get3A_21, %get3A_22] : memref<1x116xf32, #tpu.memory_space<vmem>>, vector<1x116xf32>
    %add3A_24 = vector.broadcast %get3A_23 : vector<1x116xf32> to vector<64x116xf32>
    %add3A_25 = arith.addf %dot_general3A_20, %add3A_24 : vector<64x116xf32>
    %max3A_26 = arith.constant 0.000000e+00 : f32
    %max3A_27 = vector.broadcast %max3A_26 : f32 to vector<64x116xf32>
    %max3A_28 = arith.maximumf %add3A_25, %max3A_27 : vector<64x116xf32>
    %swap3A = arith.constant 0 : index
    %swap3A_29 = arith.constant 0 : index
    %swap3A_30 = vector.load %arg6[%swap3A, %swap3A_29] : memref<64x116xf32, #tpu.memory_space<vmem>>, vector<64x116xf32>
    tpu.vector_store %arg6[%swap3A, %swap3A_29], %max3A_28 {strides = array<i32>} : memref<64x116xf32, #tpu.memory_space<vmem>>, vector<64x116xf32>,
    return
  }
}

module attributes {stable_mosaic.version = 14 : i64} {
  func.func @_h_body(%arg0: i32, %arg1: memref<1856x115xf32, #tpu.memory_space<vmem>>, %arg2: memref<115x64xf32, #tpu.memory_space<vmem>>, %arg3: memref<1856x64xf32, #tpu.memory_space<vmem>>) attributes {dimension_semantics = [#tpu.dimension_semantics<arbitrary>], iteration_bounds = array<i64: 8>, scalar_prefetch = 0 : i64, scratch_operands = 0 : i64, tpu.core_type = #tpu.core_type<tc>, window_params = [{transform_indices = @transform_0, window_bounds = array<i64: 1856, 115>}, {pipeline_mode = #tpu.pipeline_mode<synchronous>, transform_indices = @transform_1, window_bounds = array<i64: 115, 64>}, {transform_indices = @transform_2, window_bounds = array<i64: 1856, 64>}]} {
    %get3A = arith.constant 0 : index
    %get3A_0 = arith.constant 0 : index
    %get3A_1 = vector.load %arg1[%get3A, %get3A_0] : memref<1856x115xf32, #tpu.memory_space<vmem>>, vector<1856x115xf32>
    %get3A_2 = arith.constant 0 : index
    %get3A_3 = arith.constant 0 : index
    %get3A_4 = vector.load %arg2[%get3A_2, %get3A_3] : memref<115x64xf32, #tpu.memory_space<vmem>>, vector<115x64xf32>
    %dot_general3A = arith.constant dense<0.000000e+00> : vector<1856x64xf32>
    %dot_general3A_5 = tpu.matmul %get3A_1, %get3A_4, %dot_general3A {dimension_numbers = #tpu.dot_dimension_numbers<[1], [0], [0], [1], [0, 0, 1, 1], [], []>, transpose_lhs_hint = false} : vector<1856x115xf32>, vector<115x64xf32>, vector<1856x64xf32> -> vector<1856x64xf32>
    %swap3A = arith.constant 0 : index
    %swap3A_6 = arith.constant 0 : index
    %swap3A_7 = vector.load %arg3[%swap3A, %swap3A_6] : memref<1856x64xf32, #tpu.memory_space<vmem>>, vector<1856x64xf32>
    tpu.vector_store %arg3[%swap3A, %swap3A_6], %dot_general3A_5 {strides = array<i32>} : memref<1856x64xf32, #tpu.memory_space<vmem>>, vector<1856x64xf32>,
    return
  }
  func.func @transform_0(%arg0: i32) -> (i32, i32) {
    %c0_i32 = arith.constant 0 : i32
    %c0_i32_0 = arith.constant 0 : i32
    return %arg0, %c0_i32 : i32, i32
  }
  func.func @transform_1(%arg0: i32) -> (i32, i32) {
    %c0_i32 = arith.constant 0 : i32
    %c0_i32_0 = arith.constant 0 : i32
    %c0_i32_1 = arith.constant 0 : i32
    return %c0_i32, %c0_i32_0 : i32, i32
  }
  func.func @transform_2(%arg0: i32) -> (i32, i32) {
    %c0_i32 = arith.constant 0 : i32
    %c0_i32_0 = arith.constant 0 : i32
    return %arg0, %c0_i32 : i32, i32
  }
}

module attributes {stable_mosaic.version = 14 : i64} {
  func.func @_dinv_body(%arg0: memref<2x14848xf32, #tpu.memory_space<vmem>>, %arg1: memref<1x14848xf32, #tpu.memory_space<vmem>>) attributes {dimension_semantics = [], scalar_prefetch = 0 : i64, scratch_operands = 0 : i64, tpu.core_type = #tpu.core_type<tc>} {
    %get3A = arith.constant 0 : index
    %get3A_0 = arith.constant 0 : index
    %get3A_1 = vector.load %arg0[%get3A, %get3A_0] : memref<2x14848xf32, #tpu.memory_space<vmem>>, vector<1x14848xf32>
    %get3A_2 = arith.constant 1 : index
    %get3A_3 = arith.constant 0 : index
    %get3A_4 = vector.load %arg0[%get3A_2, %get3A_3] : memref<2x14848xf32, #tpu.memory_space<vmem>>, vector<1x14848xf32>
    %add3A = arith.addf %get3A_1, %get3A_4 : vector<1x14848xf32>
    %add3A_5 = arith.constant 1.000000e+00 : f32
    %add3A_6 = vector.broadcast %add3A_5 : f32 to vector<1x14848xf32>
    %add3A_7 = arith.addf %add3A, %add3A_6 : vector<1x14848xf32>
    %rsqrt3A = math.rsqrt %add3A_7 : vector<1x14848xf32>
    %swap3A = arith.constant 0 : index
    %swap3A_8 = arith.constant 0 : index
    %swap3A_9 = vector.load %arg1[%swap3A, %swap3A_8] : memref<1x14848xf32, #tpu.memory_space<vmem>>, vector<1x14848xf32>
    tpu.vector_store %arg1[%swap3A, %swap3A_8], %rsqrt3A {strides = array<i32>} : memref<1x14848xf32, #tpu.memory_space<vmem>>, vector<1x14848xf32>,
    return
  }
}

module attributes {stable_mosaic.version = 14 : i64} {
  func.func @_ep_body(%arg0: i32, %arg1: memref<1856x64xf32, #tpu.memory_space<vmem>>, %arg2: memref<1856x64xf32, #tpu.memory_space<vmem>>, %arg3: memref<1856x64xf32, #tpu.memory_space<vmem>>, %arg4: memref<1856x1xf32, #tpu.memory_space<vmem>>, %arg5: memref<1x64xf32, #tpu.memory_space<vmem>>, %arg6: memref<1856x64xf32, #tpu.memory_space<vmem>>) attributes {dimension_semantics = [#tpu.dimension_semantics<arbitrary>], iteration_bounds = array<i64: 8>, scalar_prefetch = 0 : i64, scratch_operands = 0 : i64, tpu.core_type = #tpu.core_type<tc>, window_params = [{transform_indices = @transform_0, window_bounds = array<i64: 1856, 64>}, {transform_indices = @transform_1, window_bounds = array<i64: 1856, 64>}, {transform_indices = @transform_2, window_bounds = array<i64: 1856, 64>}, {transform_indices = @transform_3, window_bounds = array<i64: 1856, 1>}, {pipeline_mode = #tpu.pipeline_mode<synchronous>, transform_indices = @transform_4, window_bounds = array<i64: 1, 64>}, {transform_indices = @transform_5, window_bounds = array<i64: 1856, 64>}]} {
    %get3A = arith.constant 0 : index
    %get3A_0 = arith.constant 0 : index
    %get3A_1 = vector.load %arg4[%get3A, %get3A_0] : memref<1856x1xf32, #tpu.memory_space<vmem>>, vector<1856x1xf32>
    %get3A_2 = arith.constant 0 : index
    %get3A_3 = arith.constant 0 : index
    %get3A_4 = vector.load %arg1[%get3A_2, %get3A_3] : memref<1856x64xf32, #tpu.memory_space<vmem>>, vector<1856x64xf32>
    %get3A_5 = arith.constant 0 : index
    %get3A_6 = arith.constant 0 : index
    %get3A_7 = vector.load %arg2[%get3A_5, %get3A_6] : memref<1856x64xf32, #tpu.memory_space<vmem>>, vector<1856x64xf32>
    %add3A = arith.addf %get3A_4, %get3A_7 : vector<1856x64xf32>
    %mul3A = arith.mulf %get3A_1, %get3A_1 : vector<1856x1xf32>
    %get3A_8 = arith.constant 0 : index
    %get3A_9 = arith.constant 0 : index
    %get3A_10 = vector.load %arg3[%get3A_8, %get3A_9] : memref<1856x64xf32, #tpu.memory_space<vmem>>, vector<1856x64xf32>
    %mul3A_11 = vector.broadcast %mul3A : vector<1856x1xf32> to vector<1856x64xf32>
    %mul3A_12 = arith.mulf %mul3A_11, %get3A_10 : vector<1856x64xf32>
    %add3A_13 = arith.addf %add3A, %mul3A_12 : vector<1856x64xf32>
    %get3A_14 = arith.constant 0 : index
    %get3A_15 = arith.constant 0 : index
    %get3A_16 = vector.load %arg5[%get3A_14, %get3A_15] : memref<1x64xf32, #tpu.memory_space<vmem>>, vector<1x64xf32>
    %add3A_17 = vector.broadcast %get3A_16 : vector<1x64xf32> to vector<1856x64xf32>
    %add3A_18 = arith.addf %add3A_13, %add3A_17 : vector<1856x64xf32>
    %max3A = arith.constant 0.000000e+00 : f32
    %max3A_19 = vector.broadcast %max3A : f32 to vector<1856x64xf32>
    %max3A_20 = arith.maximumf %add3A_18, %max3A_19 : vector<1856x64xf32>
    %swap3A = arith.constant 0 : index
    %swap3A_21 = arith.constant 0 : index
    %swap3A_22 = vector.load %arg6[%swap3A, %swap3A_21] : memref<1856x64xf32, #tpu.memory_space<vmem>>, vector<1856x64xf32>
    tpu.vector_store %arg6[%swap3A, %swap3A_21], %max3A_20 {strides = array<i32>} : memref<1856x64xf32, #tpu.memory_space<vmem>>, vector<1856x64xf32>,
    return
  }
  func.func @transform_0(%arg0: i32) -> (i32, i32) {
    %c0_i32 = arith.constant 0 : i32
    %c0_i32_0 = arith.constant 0 : i32
    return %arg0, %c0_i32 : i32, i32
  }
  func.func @transform_1(%arg0: i32) -> (i32, i32) {
    %c0_i32 = arith.constant 0 : i32
    %c0_i32_0 = arith.constant 0 : i32
    return %arg0, %c0_i32 : i32, i32
  }
  func.func @transform_2(%arg0: i32) -> (i32, i32) {
    %c0_i32 = arith.constant 0 : i32
    %c0_i32_0 = arith.constant 0 : i32
    return %arg0, %c0_i32 : i32, i32
  }
  func.func @transform_3(%arg0: i32) -> (i32, i32) {
    %c0_i32 = arith.constant 0 : i32
    %c0_i32_0 = arith.constant 0 : i32
    return %arg0, %c0_i32 : i32, i32
  }
  func.func @transform_4(%arg0: i32) -> (i32, i32) {
    %c0_i32 = arith.constant 0 : i32
    %c0_i32_0 = arith.constant 0 : i32
    %c0_i32_1 = arith.constant 0 : i32
    return %c0_i32, %c0_i32_0 : i32, i32
  }
  func.func @transform_5(%arg0: i32) -> (i32, i32) {
    %c0_i32 = arith.constant 0 : i32
    %c0_i32_0 = arith.constant 0 : i32
    return %arg0, %c0_i32 : i32, i32
  }
}

module attributes {stable_mosaic.version = 14 : i64} {
  func.func @_fin_body(%arg0: memref<64x14848xf32, #tpu.memory_space<vmem>>, %arg1: memref<14848x64xf32, #tpu.memory_space<vmem>>, %arg2: memref<1x64xf32, #tpu.memory_space<vmem>>, %arg3: memref<64x1xf32, #tpu.memory_space<vmem>>, %arg4: memref<1x1xf32, #tpu.memory_space<vmem>>, %arg5: memref<64x1xf32, #tpu.memory_space<vmem>>) attributes {dimension_semantics = [], scalar_prefetch = 0 : i64, scratch_operands = 0 : i64, tpu.core_type = #tpu.core_type<tc>} {
    %get3A = arith.constant 0 : index
    %get3A_0 = arith.constant 0 : index
    %get3A_1 = vector.load %arg0[%get3A, %get3A_0] : memref<64x14848xf32, #tpu.memory_space<vmem>>, vector<64x14848xf32>
    %get3A_2 = arith.constant 0 : index
    %get3A_3 = arith.constant 0 : index
    %get3A_4 = vector.load %arg1[%get3A_2, %get3A_3] : memref<14848x64xf32, #tpu.memory_space<vmem>>, vector<14848x64xf32>
    %dot_general3A = arith.constant dense<0.000000e+00> : vector<64x64xf32>
    %dot_general3A_5 = tpu.matmul %get3A_1, %get3A_4, %dot_general3A {dimension_numbers = #tpu.dot_dimension_numbers<[1], [0], [0], [1], [0, 0, 1, 1], [], []>, transpose_lhs_hint = false} : vector<64x14848xf32>, vector<14848x64xf32>, vector<64x64xf32> -> vector<64x64xf32>
    %get3A_6 = arith.constant 0 : index
    %get3A_7 = arith.constant 0 : index
    %get3A_8 = vector.load %arg2[%get3A_6, %get3A_7] : memref<1x64xf32, #tpu.memory_space<vmem>>, vector<1x64xf32>
    %add3A = vector.broadcast %get3A_8 : vector<1x64xf32> to vector<64x64xf32>
    %add3A_9 = arith.addf %dot_general3A_5, %add3A : vector<64x64xf32>
    %max3A = arith.constant 0.000000e+00 : f32
    %max3A_10 = vector.broadcast %max3A : f32 to vector<64x64xf32>
    %max3A_11 = arith.maximumf %add3A_9, %max3A_10 : vector<64x64xf32>
    %get3A_12 = arith.constant 0 : index
    %get3A_13 = arith.constant 0 : index
    %get3A_14 = vector.load %arg3[%get3A_12, %get3A_13] : memref<64x1xf32, #tpu.memory_space<vmem>>, vector<64x1xf32>
    %dot_general3A_15 = arith.constant dense<0.000000e+00> : vector<64x1xf32>
    %dot_general3A_16 = tpu.matmul %max3A_11, %get3A_14, %dot_general3A_15 {dimension_numbers = #tpu.dot_dimension_numbers<[1], [0], [0], [1], [0, 0, 1, 1], [], []>, transpose_lhs_hint = false} : vector<64x64xf32>, vector<64x1xf32>, vector<64x1xf32> -> vector<64x1xf32>
    %get3A_17 = arith.constant 0 : index
    %get3A_18 = arith.constant 0 : index
    %get3A_19 = vector.load %arg4[%get3A_17, %get3A_18] : memref<1x1xf32, #tpu.memory_space<vmem>>, vector<1x1xf32>
    %add3A_20 = vector.broadcast %get3A_19 : vector<1x1xf32> to vector<64x1xf32>
    %add3A_21 = arith.addf %dot_general3A_16, %add3A_20 : vector<64x1xf32>
    %swap3A = arith.constant 0 : index
    %swap3A_22 = arith.constant 0 : index
    %swap3A_23 = vector.load %arg5[%swap3A, %swap3A_22] : memref<64x1xf32, #tpu.memory_space<vmem>>, vector<64x1xf32>
    tpu.vector_store %arg5[%swap3A, %swap3A_22], %add3A_21 {strides = array<i32>} : memref<64x1xf32, #tpu.memory_space<vmem>>, vector<64x1xf32>,
    return
  }
}

</mosaic_0001>

<sc_bundles>
// kernel: kernel.10.cloned.1.call-start
scs
__scs_entry_jumppad:
0x0: {  	(pc) =	sbr.rel $0x88, $3  }
0x1: {  	(tag) =	ssettag $0x0;
	lr =	simm.s32 $0x1  }
0x2: {  	[smem:$0x3F92] =	sst lr;
	_ =	strace $0xD0000000  }
0x3: {  	_ = 	snop  }
0x4: {  	_ = 	snop  }
0x5: {  	_ = 	snop  }
0x6: {  	_ = 	snop  }
0x7: {  	_ = 	snop  }
__scs_overlays_trampoline_lowered:
0x8: {  	[smem:$0x3FA1] =	sst s0  }
0x9: {  	[smem:$0x3FA2] =	sst s1  }
0xa: {  	[smem:$0x3FA3] =	sst s2  }
0xb: {  	[smem:$0x3FA4] =	sst s3  }
0xc: {  	[smem:$0x3FA5] =	sst s4  }
0xd: {  	[smem:$0x3FA6] =	sst s5  }
0xe: {  	[smem:$0x3FA7] =	sst s6  }
0xf: {  	[smem:$0x3FA8] =	sst s7  }
0x10: {  	[smem:$0x3FA9] =	sst s8  }
0x11: {  	[smem:$0x3FAA] =	sst s9;
	s0 =	simm.s32 @!p0 $0x0  }
0x12: {  	s1 =	sld [smem:$0x3F90];
	s0 =	simm.s32 @p0 $0x1  }
0x13: {  	[smem:$0x3FAB] =	sst s0;
	s0 =	simm.s32 @!p1 $0x0  }
0x14: {  	s2 =	sld [smem:$0x3F8F];
	s0 =	simm.s32 @p1 $0x1  }
0x15: {  	[smem:$0x3FAC] =	sst s0;
	s0 =	simm.s32 @!p2 $0x0  }
0x16: {  	s3 =	sld [smem:$0x3FDB];
	s0 =	simm.s32 @p2 $0x1  }
0x17: {  	s4 =	simm.s32 $0x1BF5;
	[smem:$0x3FAE] =	sst s0  }
0x18: {  	s0 =	sld [smem:$0x3F91];
	_ =	swait.ge [sflag:s4], $0x0  }
0x19: {  	s7 =	sld [smem:$0x3F92]  }
0x1a: {  	s8 =	sadd.s32 $0xFFFFE003, lr  }
0x1b: {  	s9 =	sadd.s32 $0xFFFFFEF7, lr;
	s5 =	simm.s32 $0xFFFFFFFF;
	p2 =	slt.u32 s8, $0xFFFFF086  }
0x1c: {  	p1 =	slt.u32 s9, $0xF7A;
	s5 =	simm.s32 @!p2 $0x0  }
0x1d: {  	s5 =	simm.s32 @p1 $0x1;
	p0 =	seq.s32 s7, s2  }
0x1e: {  	s7 =	smul.u32 @!p0 $0xF7A, s2;
	p2 =	seq.s32 @!p0 s5, $0x0  }
0x1f: {  	s9 =	smul.u32 $0xF7A, s1;
	s8 =	simm.s32 @!p0 $0x1BF5;
	p2 =	por !p2, p0  }
0x20: {  	[sflag:s8] =	ssyncset.s32 @!p0 $0xFFFFF086;
	s6 =	sadd.s32 @!p0 s3, s7;
	s7 =	simm.s32 @!p0 $0x108  }
0x21: {  	s3 =	sadd.s32 s3, s9;
	s6 =	sadd.s32 @!p0 $0x88, s6;
	s7 =	simm.s32 @p2 $0x1082  }
0x22: {  	[simem:s7], [sflag:s8] =	dma.local @!p0 [hbm:s6], $0xF7A  }
0x23: {  	s9 =	sor.u32 $0xD0000000, s2;
	s6 =	simm.s32 $0x108;
	_ =	swait.ge @!p0 [sflag:s8], $0x0  }
0x24: {  	s3 =	sadd.s32 $0x88, s3;
	s6 =	simm.s32 @!p1 $0x1082;
	[sflag:s4] =	ssyncset.s32 $0xFFFFF086  }
0x25: {  	[simem:s6], [sflag:s4] =	dma.local [hbm:s3], $0xF7A  }
0x26: {  	[smem:$0x3F92] =	sst s1;
	(tag) =	ssettag s2;
	_ =	strace s9  }
0x27: {  	s1 =	sld [smem:$0x3FA2]  }
0x28: {  	s2 =	sld [smem:$0x3FA3]  }
0x29: {  	s4 =	sld [smem:$0x3FA5]  }
0x2a: {  	p0 =	seq.s32 s5, $0x0;
	s5 =	sld [smem:$0x3FA6]  }
0x2b: {  	s6 =	sld [smem:$0x3FA7]  }
0x2c: {  	s7 =	sld [smem:$0x3FA8]  }
0x2d: {  	s3 =	simm.s32 $0x108;
	s8 =	sld [smem:$0x3FA9]  }
0x2e: {  	s3 =	simm.s32 @!p0 $0x1082;
	s9 =	sld [smem:$0x3FAA]  }
0x2f: {  	lr =	sadd.s32 s0, s3;
	s0 =	sld [smem:$0x3FA1]  }
0x30: {  	s3 =	sld [smem:$0x3FA4]  }
0x31: {  	[smem:$0x3FAD] =	sst s10  }
0x32: {  	s10 =	sld [smem:$0x3FAB];
	_ =	sdelay $0x3  }
0x33: {  	p0 =	seq.s32 s10, $0x1;
	s10 =	sld [smem:$0x3FAD];
	_ =	sdelay $0x3  }
0x34: {  	[smem:$0x3FAD] =	sst s10  }
0x35: {  	s10 =	sld [smem:$0x3FAC];
	_ =	sdelay $0x3  }
0x36: {  	p1 =	seq.s32 s10, $0x1;
	s10 =	sld [smem:$0x3FAD];
	_ =	sdelay $0x3  }
0x37: {  	[smem:$0x3FAD] =	sst s10  }
0x38: {  	s10 =	sld [smem:$0x3FAE]  }
0x39: {  	_ = 	snop;
	(pc) =	sbr.ind lr, $3  }
0x3a: {  	_ = 	snop  }
0x3b: {  	_ = 	snop  }
0x3c: {  	p2 =	seq.s32 s10, $0x1;
	s10 =	sld [smem:$0x3FAD]  }
0x3d: {  	_ =	shalt  }
0x3e: {  	_ =	shalt  }
0x3f: {  	_ =	shalt  }
0x40: {  	_ =	shalt  }
0x41: {  	_ =	shalt  }
0x42: {  	_ =	shalt  }
0x43: {  	_ =	shalt  }
0x44: {  	_ =	shalt  }
0x45: {  	_ =	shalt  }
0x46: {  	_ =	shalt  }
0x47: {  	_ =	shalt  }
0x48: {  	_ =	shalt  }
0x49: {  	_ =	shalt  }
0x4a: {  	_ =	shalt  }
0x4b: {  	_ =	shalt  }
0x4c: {  	_ =	shalt  }
0x4d: {  	_ =	shalt  }
0x4e: {  	_ =	shalt  }
0x4f: {  	_ =	shalt  }
0x50: {  	_ =	shalt  }
0x51: {  	_ =	shalt  }
0x52: {  	_ =	shalt  }
0x53: {  	_ =	shalt  }
0x54: {  	_ =	shalt  }
0x55: {  	_ =	shalt  }
0x56: {  	_ =	shalt  }
0x57: {  	_ =	shalt  }
0x58: {  	_ =	shalt  }
0x59: {  	_ =	shalt  }
0x5a: {  	_ =	shalt  }
0x5b: {  	_ =	shalt  }
0x5c: {  	_ =	shalt  }
0x5d: {  	_ =	shalt  }
0x5e: {  	_ =	shalt  }
0x5f: {  	_ =	shalt  }
0x60: {  	_ =	shalt  }
0x61: {  	_ =	shalt  }
0x62: {  	_ =	shalt  }
0x63: {  	_ =	shalt  }
0x64: {  	_ =	shalt  }
0x65: {  	_ =	shalt  }
0x66: {  	_ =	shalt  }
0x67: {  	_ =	shalt  }
0x68: {  	_ =	shalt  }
0x69: {  	_ =	shalt  }
0x6a: {  	_ =	shalt  }
0x6b: {  	_ =	shalt  }
0x6c: {  	_ =	shalt  }
0x6d: {  	_ =	shalt  }
0x6e: {  	_ =	shalt  }
0x6f: {  	_ =	shalt  }
0x70: {  	_ =	shalt  }
0x71: {  	_ =	shalt  }
0x72: {  	_ =	shalt  }
0x73: {  	_ =	shalt  }
0x74: {  	_ =	shalt  }
0x75: {  	_ =	shalt  }
0x76: {  	_ =	shalt  }
0x77: {  	_ =	shalt  }
0x78: {  	_ =	shalt  }
0x79: {  	_ =	shalt  }
0x7a: {  	_ =	shalt  }
0x7b: {  	_ =	shalt  }
0x7c: {  	_ =	shalt  }
0x7d: {  	_ =	shalt  }
0x7e: {  	_ =	shalt  }
0x7f: {  	_ =	shalt  }
0x80: {  	_ =	shalt  }
0x81: {  	_ =	shalt  }
0x82: {  	_ =	shalt  }
0x83: {  	_ =	shalt  }
0x84: {  	_ =	shalt  }
0x85: {  	_ =	shalt  }
0x86: {  	_ =	shalt  }
0x87: {  	_ =	shalt  }
.Lfunc_end0:
.L_simem_size_0:
called_computation_lowered:
.L_overlay_start_0:
0x88: {  	s2 =	sld [smem:$0x3FD9]  }
0x89: {  	s3 =	sld [smem:$0x3FFE];
	_ =	sdelay $0x1  }
0x8a: {  	s1 =	srdreg.scid  }
0x8b: {  	s0 =	sand.u32 $0x1, s1  }
0x8c: {  	s16 =	sshll.u32 s0, $0xA;
	s2 =	sadd.s32 s3, s2  }
0x8d: {  	s2 =	sadd.s32 s2, s16  }
0x8e: {  	[smem:$0x3FB9] =	sst s2  }
0x8f: {  	_ = 	snop  }
0x90: {  	(tm) =	ssettm $0x1  }
0x91: {  	s17 =	sld [smem:$0x3FFB];
	_ =	sdelay $0x3  }
0x92: {  	_ =	strace s17  }
0x93: {  	s2 =	sld [smem:$0x3FFC];
	_ =	sdelay $0x3  }
0x94: {  	_ =	strace s2  }
0x95: {  	s2 =	sld [smem:$0x3FFD];
	_ =	sdelay $0x3  }
0x96: {  	_ =	strace s2  }
0x97: {  	_ =	strace $0x8FFFFFFF  }
0x98: {  	s18 =	sld [smem:$0x3FDB];
	_ =	sdelay $0x1  }
0x99: {  	s19 =	simm.s32 $_scs_section_size  }
0x9a: {  	s4 =	simm.s32 $_size__tile_overlayer_lowered;
	s5 =	simm.s32 $_tile_overlayer_lowered  }
0x9b: {  	s22 =	simm.s32 $0x1BFF;
	s21 =	sshll.u32 s5, $0x1;
	s2 =	sadd.s32 s19, s18  }
0x9c: {  	s6 =	simm.s32 $0x0;
	s20 =	sshll.u32 s4, $0x1;
	s4 =	sadd.s32 s21, s2  }
0x9d: {  	[timem:s6], [sflag:s22] =	dma.local [hbm:s4], s20  }
0x9e: {  	_ =	swait.ge [sflag:s22], s20  }
0x9f: {  	s3 =	ssub.s32 $0x0, s20;
	[sflag:s22] =	ssyncset.done $0x0  }
0xa0: {  	[sflag:s22] =	ssyncadd.s32 s3;
	_ =	sdelay $0x1  }
0xa1: {  	s23 =	simm.s32 $0x1B8B  }
0xa2: {  	_ =	swait.ge [sflag:s23], $0x1  }
0xa3: {  	[sflag:s23] =	ssyncset.done $0x0  }
0xa4: {  	s25 =	simm.s32 $0x1B8E;
	s24 =	sld [smem:$0x3FFE];
	[sflag:s23] =	ssyncadd.s32 $0xFFFFFFFF  }
0xa5: {  	s26 =	simm.s32 $execute0_lowered;
	[smem:$0x3FD2] =	sst s25  }
0xa6: {  	s4 =	sshll.u32 s26, $0x1;
	_ =	strace $0x80000046;
	[dreg:$0x1] =	wrdreg $0xFFFFFFFF  }
0xa7: {  	s28 =	simm.s32 $_size_execute0_lowered;
	s2 =	sadd.s32 s2, s4;
	[dreg:$0x0] =	wrdreg $0x0  }
0xa8: {  	s4 =	sshll.u32 s28, $0x1;
	[dreg:$0x2] =	wrdreg s2  }
0xa9: {  	[dreg:$0x3] =	wrdreg s4  }
0xaa: {  	[dreg:$0x4] =	wrdreg $0xC0  }
0xab: {  	_ =	task [dreg:s6], $0x5FFFF  }
0xac: {  	[dreg:$0x1] =	wrdreg $0xFFFFFFFF  }
0xad: {  	[dreg:$0x0] =	wrdreg $0x60  }
0xae: {  	[dreg:$0x2] =	wrdreg s24  }
0xaf: {  	[dreg:$0x3] =	wrdreg $0xB6000  }
0xb0: {  	[dreg:$0x4] =	wrdreg $0x9  }
0xb1: {  	_ =	task.clear_ibuf [dreg:s6], $0x5FFFF;
	_ =	strace $0x90000046  }
0xb2: {  	s29 =	simm.s32 $0x9;
	_ =	strace $0x80000048  }
0xb3: {  	_ =	swait.ge [sflag:s29], $0x1  }
0xb4: {  	[sflag:s29] =	ssyncadd.s32 $0xFFFFFFFF  }
0xb5: {  	_ =	strace $0x90000048  }
0xb6: {  	_ =	sfence  }
0xb7: {  	s30 =	sld [smem:$0x0];
	_ =	sdelay $0x2  }
0xb8: {  	s31 =	sshll.u32 s1, $0xD;
	s1 =	sshrl.u32 s1, $0x2  }
0xb9: {  	s3 =	sand.u32 $0x4000, s31;
	s1 =	sadd.s32 s1, s30  }
0xba: {  	s0 =	sor.u32 s3, s0;
	s1 =	sshll.u32 s1, $0x11  }
0xbb: {  	s0 =	sor.u32 s1, s0  }
0xbc: {  	s0 =	sadd.s32 $0x8F2B, s0  }
0xbd: {  	[sflag:s0] =	ssyncadd.remote.s32 $0x1  }
0xbe: {  	_ =	sfence.sel $0xFFFF  }
0xbf: {  	[dreg:$0x0] =	wrdreg $0xFFFFFFFF;
	(pc) =	sbr.abs _section_cstart, $3  }
0xc0: {  	[dreg:$0x1] =	wrdreg $0xFFFFFFFF  }
0xc1: {  	_ =	task.clear_ibuf [dreg:s6], $0x2FFFF;
	_ =	strace $0x9FFFFFFF  }
0xc2: {  	(tm) =	ssettm $0x7FFFFFFF  }
0xc3: {  	_ =	shalt  }
tec
execute0_lowered:
.L_overlay_start_1:
0x0: {  	(tag) =	ssettag $0x1  }
0x1: {  	s1 =	srdreg.scid;
	s4 =	rddreg [dreg:$0x0]  }
0x2: {  	s0 =	stileid.u32;
	s2 =	rddreg [dreg:$0x1];
	s3 =	simm.s32 $0x0  }
0x3: {  	s10 =	simm.s32 $0x3A00;
	s11 =	simm.s32 $0x7C00;
	s12 =	simm.s32 $0x7400  }
0x4: {  	s13 =	simm.s32 $0x80;
	s5 =	sand.u32 $0x1, s1;
	s1 =	rddreg [dreg:$0x2]  }
0x5: {  	s16 =	simm.s32 $0x0;
	s6 =	smul.u32 $0x3A00, s0;
	[smem:$0x7FF] =	sst s3  }
0x6: {  	s14 =	sshll.u32 s0, $0x6;
	s7 =	sshll.u32 s5, $0x4;
	s8 =	smul.u32 $0x3A000, s5  }
0x7: {  	v0 =	vlaneseq.u32;
	_ =	strace $0x80000047;
	s5 =	ssub.s32 $0x2, s5;
	s7 =	sor.u32 s0, s7  }
0x8: {  	v0 =	vmul.u32 $0x10, v0;
	s14 =	sor.u32 $0x1C01, s14;
	s31 =	sshrl.u32 s5, $0x1;
	s7 =	smul.u32 $0x740, s7  }
0x9: {  	s8 =	sadd.s32 s6, s8;
	s9 =	ssub.s32 s5, s31;
	s6 =	sadd.s32 s6, s2  }
0xa: {  	v1 =	vimm.f32 $0.0e+00;
	v2 =	vor.u32 $0x100, v0;
	s8 =	sshrl.u32 s8, $0x3;
	s15 =	sshrl.u32 s6, $0x3;
	s7 =	sadd.s32 s7, s4  }
0xb: {  	v3 =	vor.u32 $0x200, v0;
	v4 =	vor.u32 $0x300, v0;
	v5 =	vor.u32 $0x400, v0;
	s8 =	sadd.s32 s8, s4;
	s4 =	sadd.s32 $0x4A400, s7;
	s5 =	sadd.s32 $0x3BC00, s7  }
0xc: {  	v6 =	vor.u32 $0x500, v0;
	v7 =	vor.u32 $0x600, v0;
	v8 =	vor.u32 $0x700, v0;
	s7 =	sadd.s32 $0x67400, s8;
	s8 =	smax.u32 s9, $0x1;
	s9 =	simm.s32 $0x1  }
.LBB2_1:
0xd: {  	[tilespmem:s3], [sflag:$0x1] =	stream.linear.gather [hbm4b:s4+s3], $0x3A00, $0x38;
	[tilespmem:$0xF000] =	vst v63  }
0xe: {  	_ =	swait.ge [sflag:s9], $0x3A00  }
0xf: {  	[sflag:s9] =	ssyncset.done $0x0  }
0x10: {  	[sflag:s9] =	ssyncadd.s32 $0xFFFFC600  }
0x11: {  	[tilespmem:s10], [sflag:$0x1] =	stream.linear.gather [hbm4b:s5+s3], $0x3A00, $0x38;
	[tilespmem:$0xF000] =	vst v63  }
0x12: {  	_ =	swait.ge [sflag:s9], $0x3A00  }
0x13: {  	[sflag:s9] =	ssyncset.done $0x0  }
0x14: {  	s17 =	simm.s32 $0x40;
	s18 =	simm.s32 $0x0;
	[sflag:s9] =	ssyncadd.s32 $0xFFFFC600  }
.LBB2_2:
0x15: {  	p0 =	sne.s32 s17, $0xE7C0;
	[tilespmem:s18+$0x7C00] =	vst v1;
	s18 =	smov.u32 s17;
	s17 =	sadd.s32 $0x40, s17  }
.Ltmp0:
0x16: {  	(pc) =	sbr.rel @p0 .LBB2_2-.Ltmp0, $2  }
0x17: {  	_ =	sdelay $0x2  }
0x18: {  	s18 =	sshra.s32 s18, $0x2  }
0x19: {  	[tilespmem:s18+$0x7C00] =	vst v1  }
0x1a: {  	[spmem:s6] =	stream.linear.scatter [tilespmem:s11], [sflag:$0x1], $0x3A00, $0x38;
	[tilespmem:$0xF000] =	vst v63  }
0x1b: {  	_ =	swait.ge [sflag:s9], $0x3A00  }
0x1c: {  	[sflag:s9] =	ssyncset.done $0x0  }
0x1d: {  	[sflag:s9] =	ssyncadd.s32 $0xFFFFC600  }
0x1e: {  	s17 =	simm.s32 $0x0;
	[bflag:$0x0] =	sbarrier.arrive $0xFFFF  }
0x1f: {  	v9 =	vld [tilespmem:s17+$0x3A00];
	_ =	sdelay $0x4  }
0x20: {  	[tilespmem:v0+s12+$0x0] =	vst.idx.msk $0xffff, v9  }
0x21: {  	v9 =	vld [tilespmem:s17+$0x3A10];
	_ =	sdelay $0x4  }
0x22: {  	[tilespmem:v2+s12+$0x0] =	vst.idx.msk $0xffff, v9  }
0x23: {  	v9 =	vld [tilespmem:s17+$0x3A20];
	_ =	sdelay $0x4  }
0x24: {  	[tilespmem:v3+s12+$0x0] =	vst.idx.msk $0xffff, v9  }
0x25: {  	v9 =	vld [tilespmem:s17+$0x3A30];
	_ =	sdelay $0x4  }
0x26: {  	[tilespmem:v4+s12+$0x0] =	vst.idx.msk $0xffff, v9  }
0x27: {  	v9 =	vld [tilespmem:s17+$0x3A40];
	_ =	sdelay $0x4  }
0x28: {  	[tilespmem:v5+s12+$0x0] =	vst.idx.msk $0xffff, v9  }
0x29: {  	v9 =	vld [tilespmem:s17+$0x3A50];
	_ =	sdelay $0x4  }
0x2a: {  	[tilespmem:v6+s12+$0x0] =	vst.idx.msk $0xffff, v9  }
0x2b: {  	v9 =	vld [tilespmem:s17+$0x3A60];
	_ =	sdelay $0x4  }
0x2c: {  	[tilespmem:v7+s12+$0x0] =	vst.idx.msk $0xffff, v9  }
0x2d: {  	v9 =	vld [tilespmem:s17+$0x3A70];
	_ =	sdelay $0x4  }
0x2e: {  	[tilespmem:v8+s12+$0x0] =	vst.idx.msk $0xffff, v9  }
0x2f: {  	[spmem:s2] =	stream.indirect.scatter.add.f32 [tilespmem:s12], [sflag:$0x1], $0x10, s17, s13, $0xb8;
	[tilespmem:$0xF000] =	vst v63  }
0x30: {  	_ =	swait.ge [sflag:s9], $0x800  }
0x31: {  	s20 =	simm.s32 $0x400;
	s17 =	simm.s32 $0x200;
	[sflag:s9] =	ssyncset.done $0x0  }
.LBB2_4:
0x32: {  	s19 =	sshra.s32 s17, $0x2  }
0x33: {  	[sflag:s9] =	ssyncadd.s32 $0xFFFFF800;
	s17 =	smov.u32 s20;
	s18 =	sadd.s32 $0x200, s20  }
0x34: {  	p0 =	sne.s32 s20, $0xE600;
	v9 =	vld [tilespmem:s19+$0x3A00];
	_ =	sdelay $0x4  }
0x35: {  	[tilespmem:v0+s12+$0x0] =	vst.idx.msk $0xffff, v9  }
0x36: {  	v9 =	vld [tilespmem:s19+$0x3A10];
	_ =	sdelay $0x4  }
0x37: {  	[tilespmem:v2+s12+$0x0] =	vst.idx.msk $0xffff, v9  }
0x38: {  	v9 =	vld [tilespmem:s19+$0x3A20];
	_ =	sdelay $0x4  }
0x39: {  	[tilespmem:v3+s12+$0x0] =	vst.idx.msk $0xffff, v9  }
0x3a: {  	v9 =	vld [tilespmem:s19+$0x3A30];
	_ =	sdelay $0x4  }
0x3b: {  	[tilespmem:v4+s12+$0x0] =	vst.idx.msk $0xffff, v9  }
0x3c: {  	v9 =	vld [tilespmem:s19+$0x3A40];
	_ =	sdelay $0x4  }
0x3d: {  	[tilespmem:v5+s12+$0x0] =	vst.idx.msk $0xffff, v9  }
0x3e: {  	v9 =	vld [tilespmem:s19+$0x3A50];
	_ =	sdelay $0x4  }
0x3f: {  	[tilespmem:v6+s12+$0x0] =	vst.idx.msk $0xffff, v9  }
0x40: {  	v9 =	vld [tilespmem:s19+$0x3A60];
	_ =	sdelay $0x4  }
0x41: {  	[tilespmem:v7+s12+$0x0] =	vst.idx.msk $0xffff, v9  }
0x42: {  	v9 =	vld [tilespmem:s19+$0x3A70];
	_ =	sdelay $0x3  }
.Ltmp1:
0x43: {  	(pc) =	sbr.rel @p0 .LBB2_4-.Ltmp1, $4  }
0x44: {  	[tilespmem:v8+s12+$0x0] =	vst.idx.msk $0xffff, v9  }
0x45: {  	[spmem:s2] =	stream.indirect.scatter.add.f32 [tilespmem:s12], [sflag:$0x1], $0x10, s19, s13, $0xb8;
	[tilespmem:$0xF000] =	vst v63  }
0x46: {  	_ =	swait.ge [sflag:s9], $0x800  }
0x47: {  	s20 =	smov.u32 s18;
	[sflag:s9] =	ssyncset.done $0x0  }
0x48: {  	s17 =	sshra.s32 s17, $0x2;
	[sflag:s9] =	ssyncadd.s32 $0xFFFFF800  }
0x49: {  	v9 =	vld [tilespmem:s17+$0x3A00];
	_ =	sdelay $0x4  }
0x4a: {  	[tilespmem:v0+s12+$0x0] =	vst.idx.msk $0xffff, v9  }
0x4b: {  	v9 =	vld [tilespmem:s17+$0x3A10];
	_ =	sdelay $0x4  }
0x4c: {  	[tilespmem:v2+s12+$0x0] =	vst.idx.msk $0xffff, v9  }
0x4d: {  	v9 =	vld [tilespmem:s17+$0x3A20];
	_ =	sdelay $0x4  }
0x4e: {  	[tilespmem:v3+s12+$0x0] =	vst.idx.msk $0xffff, v9  }
0x4f: {  	v9 =	vld [tilespmem:s17+$0x3A30];
	_ =	sdelay $0x4  }
0x50: {  	[tilespmem:v4+s12+$0x0] =	vst.idx.msk $0xffff, v9  }
0x51: {  	v9 =	vld [tilespmem:s17+$0x3A40];
	_ =	sdelay $0x4  }
0x52: {  	[tilespmem:v5+s12+$0x0] =	vst.idx.msk $0xffff, v9  }
0x53: {  	v9 =	vld [tilespmem:s17+$0x3A50];
	_ =	sdelay $0x4  }
0x54: {  	[tilespmem:v6+s12+$0x0] =	vst.idx.msk $0xffff, v9  }
0x55: {  	v9 =	vld [tilespmem:s17+$0x3A60];
	_ =	sdelay $0x4  }
0x56: {  	[tilespmem:v7+s12+$0x0] =	vst.idx.msk $0xffff, v9  }
0x57: {  	v9 =	vld [tilespmem:s17+$0x3A70];
	_ =	sdelay $0x4  }
0x58: {  	[tilespmem:v8+s12+$0x0] =	vst.idx.msk $0xffff, v9  }
0x59: {  	[spmem:s2] =	stream.indirect.scatter.add.f32 [tilespmem:s12], [sflag:$0x1], $0x10, s17, s13, $0xb8;
	[tilespmem:$0xF000] =	vst v63  }
0x5a: {  	_ =	swait.ge [sflag:s9], $0x800  }
0x5b: {  	s16 =	sadd.s32 $0x1, s16;
	[sflag:s9] =	ssyncset.done $0x0  }
0x5c: {  	p0 =	sne.s32 s16, s8;
	[sflag:s9] =	ssyncadd.s32 $0xFFFFF800  }
.Ltmp2:
0x5d: {  	[bflag:$0x0] =	sbarrier.arrive $0xFFFF;
	(pc) =	sbr.rel @p0 .LBB2_1-.Ltmp2, $4  }
0x5e: {  	[hbm:s7], [sflag:s14] =	dma.local [spmem:s15], $0x740  }
0x5f: {  	_ =	swait.ge [sflag:s9], $0x740  }
0x60: {  	[sflag:s9] =	ssyncset.done $0x0  }
0x61: {  	[sflag:s9] =	ssyncadd.s32 $0xFFFFF8C0  }
0x62: {  	_ =	sfence.sel $0x180000  }
0x63: {  	[bflag:$0x0] =	sbarrier.arrive $0xFFFF  }
0x64: {  	p0 =	sne.s32 s0, $0x0;
	_ =	strace $0x90000047  }
0x65: {  	s0 =	sadd.s32 @!p0 $0x100000, s1;
	[bflag:$0x2] =	sbarrier.arrive $0xFFFF  }
0x66: {  	[sflag:s0] =	ssyncadd.tile.s32 @!p0 $0x1;
	_ =	shalt  }
.Lfunc_end2:
_tile_overlayer_lowered:
.L_overlay_start_2:
0x67: {  	(tag) =	ssettag $0x2  }
0x68: {  	s0 =	rddreg [dreg:$0x0];
	s2 =	stileid.u32  }
0x69: {  	s1 =	rddreg [dreg:$0x1];
	p0 =	sne.s32 s2, $0x0  }
0x6a: {  	s3 =	rddreg [dreg:$0x2];
	[bflag:$0x3] =	sbarrier.arrive $0xFFFF;
	s2 =	simm.s32 @!p0 $0x1C01  }
0x6b: {  	[timem:s3], [sflag:s2] =	dma.local @!p0 [hbm:s0], s1  }
0x6c: {  	s0 =	simm.s32 @!p0 $0x1  }
0x6d: {  	_ =	swait.ge @!p0 [sflag:s0], s1  }
0x6e: {  	s1 =	ssub.s32 @!p0 $0x0, s1;
	[sflag:s0] =	ssyncset.done @!p0 $0x0  }
0x6f: {  	[sflag:s0] =	ssyncadd.s32 @!p0 s1  }
0x70: {  	[bflag:$0x3] =	sbarrier.arrive $0xFFFF  }
0x71: {  	_ =	shalt  }

// kernel: kernel.13.cloned.1.call-start
scs
__scs_entry_jumppad:
0x0: {  	(pc) =	sbr.rel $0x88, $3  }
0x1: {  	(tag) =	ssettag $0x0;
	lr =	simm.s32 $0x1  }
0x2: {  	[smem:$0x3F92] =	sst lr;
	_ =	strace $0xD0000000  }
0x3: {  	_ = 	snop  }
0x4: {  	_ = 	snop  }
0x5: {  	_ = 	snop  }
0x6: {  	_ = 	snop  }
0x7: {  	_ = 	snop  }
__scs_overlays_trampoline_lowered:
0x8: {  	[smem:$0x3FA1] =	sst s0  }
0x9: {  	[smem:$0x3FA2] =	sst s1  }
0xa: {  	[smem:$0x3FA3] =	sst s2  }
0xb: {  	[smem:$0x3FA4] =	sst s3  }
0xc: {  	[smem:$0x3FA5] =	sst s4  }
0xd: {  	[smem:$0x3FA6] =	sst s5  }
0xe: {  	[smem:$0x3FA7] =	sst s6  }
0xf: {  	[smem:$0x3FA8] =	sst s7  }
0x10: {  	[smem:$0x3FA9] =	sst s8  }
0x11: {  	[smem:$0x3FAA] =	sst s9;
	s0 =	simm.s32 @!p0 $0x0  }
0x12: {  	s1 =	sld [smem:$0x3F90];
	s0 =	simm.s32 @p0 $0x1  }
0x13: {  	[smem:$0x3FAB] =	sst s0;
	s0 =	simm.s32 @!p1 $0x0  }
0x14: {  	s2 =	sld [smem:$0x3F8F];
	s0 =	simm.s32 @p1 $0x1  }
0x15: {  	[smem:$0x3FAC] =	sst s0;
	s0 =	simm.s32 @!p2 $0x0  }
0x16: {  	s3 =	sld [smem:$0x3FDB];
	s0 =	simm.s32 @p2 $0x1  }
0x17: {  	s4 =	simm.s32 $0x1BF5;
	[smem:$0x3FAE] =	sst s0  }
0x18: {  	s0 =	sld [smem:$0x3F91];
	_ =	swait.ge [sflag:s4], $0x0  }
0x19: {  	s7 =	sld [smem:$0x3F92]  }
0x1a: {  	s8 =	sadd.s32 $0xFFFFE003, lr  }
0x1b: {  	s9 =	sadd.s32 $0xFFFFFEF7, lr;
	s5 =	simm.s32 $0xFFFFFFFF;
	p2 =	slt.u32 s8, $0xFFFFF086  }
0x1c: {  	p1 =	slt.u32 s9, $0xF7A;
	s5 =	simm.s32 @!p2 $0x0  }
0x1d: {  	s5 =	simm.s32 @p1 $0x1;
	p0 =	seq.s32 s7, s2  }
0x1e: {  	s7 =	smul.u32 @!p0 $0xF7A, s2;
	p2 =	seq.s32 @!p0 s5, $0x0  }
0x1f: {  	s9 =	smul.u32 $0xF7A, s1;
	s8 =	simm.s32 @!p0 $0x1BF5;
	p2 =	por !p2, p0  }
0x20: {  	[sflag:s8] =	ssyncset.s32 @!p0 $0xFFFFF086;
	s6 =	sadd.s32 @!p0 s3, s7;
	s7 =	simm.s32 @!p0 $0x108  }
0x21: {  	s3 =	sadd.s32 s3, s9;
	s6 =	sadd.s32 @!p0 $0x88, s6;
	s7 =	simm.s32 @p2 $0x1082  }
0x22: {  	[simem:s7], [sflag:s8] =	dma.local @!p0 [hbm:s6], $0xF7A  }
0x23: {  	s9 =	sor.u32 $0xD0000000, s2;
	s6 =	simm.s32 $0x108;
	_ =	swait.ge @!p0 [sflag:s8], $0x0  }
0x24: {  	s3 =	sadd.s32 $0x88, s3;
	s6 =	simm.s32 @!p1 $0x1082;
	[sflag:s4] =	ssyncset.s32 $0xFFFFF086  }
0x25: {  	[simem:s6], [sflag:s4] =	dma.local [hbm:s3], $0xF7A  }
0x26: {  	[smem:$0x3F92] =	sst s1;
	(tag) =	ssettag s2;
	_ =	strace s9  }
0x27: {  	s1 =	sld [smem:$0x3FA2]  }
0x28: {  	s2 =	sld [smem:$0x3FA3]  }
0x29: {  	s4 =	sld [smem:$0x3FA5]  }
0x2a: {  	p0 =	seq.s32 s5, $0x0;
	s5 =	sld [smem:$0x3FA6]  }
0x2b: {  	s6 =	sld [smem:$0x3FA7]  }
0x2c: {  	s7 =	sld [smem:$0x3FA8]  }
0x2d: {  	s3 =	simm.s32 $0x108;
	s8 =	sld [smem:$0x3FA9]  }
0x2e: {  	s3 =	simm.s32 @!p0 $0x1082;
	s9 =	sld [smem:$0x3FAA]  }
0x2f: {  	lr =	sadd.s32 s0, s3;
	s0 =	sld [smem:$0x3FA1]  }
0x30: {  	s3 =	sld [smem:$0x3FA4]  }
0x31: {  	[smem:$0x3FAD] =	sst s10  }
0x32: {  	s10 =	sld [smem:$0x3FAB];
	_ =	sdelay $0x3  }
0x33: {  	p0 =	seq.s32 s10, $0x1;
	s10 =	sld [smem:$0x3FAD];
	_ =	sdelay $0x3  }
0x34: {  	[smem:$0x3FAD] =	sst s10  }
0x35: {  	s10 =	sld [smem:$0x3FAC];
	_ =	sdelay $0x3  }
0x36: {  	p1 =	seq.s32 s10, $0x1;
	s10 =	sld [smem:$0x3FAD];
	_ =	sdelay $0x3  }
0x37: {  	[smem:$0x3FAD] =	sst s10  }
0x38: {  	s10 =	sld [smem:$0x3FAE]  }
0x39: {  	_ = 	snop;
	(pc) =	sbr.ind lr, $3  }
0x3a: {  	_ = 	snop  }
0x3b: {  	_ = 	snop  }
0x3c: {  	p2 =	seq.s32 s10, $0x1;
	s10 =	sld [smem:$0x3FAD]  }
0x3d: {  	_ =	shalt  }
0x3e: {  	_ =	shalt  }
0x3f: {  	_ =	shalt  }
0x40: {  	_ =	shalt  }
0x41: {  	_ =	shalt  }
0x42: {  	_ =	shalt  }
0x43: {  	_ =	shalt  }
0x44: {  	_ =	shalt  }
0x45: {  	_ =	shalt  }
0x46: {  	_ =	shalt  }
0x47: {  	_ =	shalt  }
0x48: {  	_ =	shalt  }
0x49: {  	_ =	shalt  }
0x4a: {  	_ =	shalt  }
0x4b: {  	_ =	shalt  }
0x4c: {  	_ =	shalt  }
0x4d: {  	_ =	shalt  }
0x4e: {  	_ =	shalt  }
0x4f: {  	_ =	shalt  }
0x50: {  	_ =	shalt  }
0x51: {  	_ =	shalt  }
0x52: {  	_ =	shalt  }
0x53: {  	_ =	shalt  }
0x54: {  	_ =	shalt  }
0x55: {  	_ =	shalt  }
0x56: {  	_ =	shalt  }
0x57: {  	_ =	shalt  }
0x58: {  	_ =	shalt  }
0x59: {  	_ =	shalt  }
0x5a: {  	_ =	shalt  }
0x5b: {  	_ =	shalt  }
0x5c: {  	_ =	shalt  }
0x5d: {  	_ =	shalt  }
0x5e: {  	_ =	shalt  }
0x5f: {  	_ =	shalt  }
0x60: {  	_ =	shalt  }
0x61: {  	_ =	shalt  }
0x62: {  	_ =	shalt  }
0x63: {  	_ =	shalt  }
0x64: {  	_ =	shalt  }
0x65: {  	_ =	shalt  }
0x66: {  	_ =	shalt  }
0x67: {  	_ =	shalt  }
0x68: {  	_ =	shalt  }
0x69: {  	_ =	shalt  }
0x6a: {  	_ =	shalt  }
0x6b: {  	_ =	shalt  }
0x6c: {  	_ =	shalt  }
0x6d: {  	_ =	shalt  }
0x6e: {  	_ =	shalt  }
0x6f: {  	_ =	shalt  }
0x70: {  	_ =	shalt  }
0x71: {  	_ =	shalt  }
0x72: {  	_ =	shalt  }
0x73: {  	_ =	shalt  }
0x74: {  	_ =	shalt  }
0x75: {  	_ =	shalt  }
0x76: {  	_ =	shalt  }
0x77: {  	_ =	shalt  }
0x78: {  	_ =	shalt  }
0x79: {  	_ =	shalt  }
0x7a: {  	_ =	shalt  }
0x7b: {  	_ =	shalt  }
0x7c: {  	_ =	shalt  }
0x7d: {  	_ =	shalt  }
0x7e: {  	_ =	shalt  }
0x7f: {  	_ =	shalt  }
0x80: {  	_ =	shalt  }
0x81: {  	_ =	shalt  }
0x82: {  	_ =	shalt  }
0x83: {  	_ =	shalt  }
0x84: {  	_ =	shalt  }
0x85: {  	_ =	shalt  }
0x86: {  	_ =	shalt  }
0x87: {  	_ =	shalt  }
.Lfunc_end0:
.L_simem_size_0:
called_computation.1_lowered:
.L_overlay_start_0:
0x88: {  	s2 =	sld [smem:$0x3FD9]  }
0x89: {  	s3 =	sld [smem:$0x3FFE];
	_ =	sdelay $0x1  }
0x8a: {  	s1 =	srdreg.scid  }
0x8b: {  	s0 =	sand.u32 $0x1, s1  }
0x8c: {  	s16 =	sshll.u32 s0, $0xA;
	s2 =	sadd.s32 s3, s2  }
0x8d: {  	s2 =	sadd.s32 s2, s16  }
0x8e: {  	[smem:$0x3FB9] =	sst s2  }
0x8f: {  	_ = 	snop  }
0x90: {  	(tm) =	ssettm $0x1  }
0x91: {  	s17 =	sld [smem:$0x3FFB];
	_ =	sdelay $0x3  }
0x92: {  	_ =	strace s17  }
0x93: {  	s2 =	sld [smem:$0x3FFC];
	_ =	sdelay $0x3  }
0x94: {  	_ =	strace s2  }
0x95: {  	s2 =	sld [smem:$0x3FFD];
	_ =	sdelay $0x3  }
0x96: {  	_ =	strace s2  }
0x97: {  	_ =	strace $0x8FFFFFFF  }
0x98: {  	s18 =	sld [smem:$0x3FDB];
	_ =	sdelay $0x1  }
0x99: {  	s19 =	simm.s32 $_scs_section_size  }
0x9a: {  	s4 =	simm.s32 $_size__tile_overlayer_lowered;
	s5 =	simm.s32 $_tile_overlayer_lowered  }
0x9b: {  	s22 =	simm.s32 $0x1BFF;
	s21 =	sshll.u32 s5, $0x1;
	s2 =	sadd.s32 s19, s18  }
0x9c: {  	s6 =	simm.s32 $0x0;
	s20 =	sshll.u32 s4, $0x1;
	s4 =	sadd.s32 s21, s2  }
0x9d: {  	[timem:s6], [sflag:s22] =	dma.local [hbm:s4], s20  }
0x9e: {  	_ =	swait.ge [sflag:s22], s20  }
0x9f: {  	s3 =	ssub.s32 $0x0, s20;
	[sflag:s22] =	ssyncset.done $0x0  }
0xa0: {  	[sflag:s22] =	ssyncadd.s32 s3;
	_ =	sdelay $0x1  }
0xa1: {  	s23 =	simm.s32 $0x1B8B  }
0xa2: {  	_ =	swait.ge [sflag:s23], $0x1  }
0xa3: {  	[sflag:s23] =	ssyncset.done $0x0  }
0xa4: {  	s25 =	simm.s32 $0x1B8E;
	s24 =	sld [smem:$0x3FFE];
	[sflag:s23] =	ssyncadd.s32 $0xFFFFFFFF  }
0xa5: {  	s26 =	simm.s32 $execute0_lowered;
	[smem:$0x3FD2] =	sst s25  }
0xa6: {  	s4 =	sshll.u32 s26, $0x1;
	_ =	strace $0x80000049;
	[dreg:$0x1] =	wrdreg $0xFFFFFFFF  }
0xa7: {  	s28 =	simm.s32 $_size_execute0_lowered;
	s2 =	sadd.s32 s2, s4;
	[dreg:$0x0] =	wrdreg $0x0  }
0xa8: {  	s4 =	sshll.u32 s28, $0x1;
	[dreg:$0x2] =	wrdreg s2  }
0xa9: {  	[dreg:$0x3] =	wrdreg s4  }
0xaa: {  	[dreg:$0x4] =	wrdreg $0xC0  }
0xab: {  	_ =	task [dreg:s6], $0x5FFFF  }
0xac: {  	[dreg:$0x1] =	wrdreg $0xFFFFFFFF  }
0xad: {  	[dreg:$0x0] =	wrdreg $0x60  }
0xae: {  	[dreg:$0x2] =	wrdreg s24  }
0xaf: {  	[dreg:$0x3] =	wrdreg $0x108800  }
0xb0: {  	[dreg:$0x4] =	wrdreg $0x9  }
0xb1: {  	_ =	task.clear_ibuf [dreg:s6], $0x5FFFF;
	_ =	strace $0x90000049  }
0xb2: {  	s29 =	simm.s32 $0x9;
	_ =	strace $0x8000004B  }
0xb3: {  	_ =	swait.ge [sflag:s29], $0x1  }
0xb4: {  	[sflag:s29] =	ssyncadd.s32 $0xFFFFFFFF  }
0xb5: {  	_ =	strace $0x9000004B  }
0xb6: {  	_ =	sfence  }
0xb7: {  	s30 =	sld [smem:$0x0];
	_ =	sdelay $0x2  }
0xb8: {  	s31 =	sshll.u32 s1, $0xD;
	s1 =	sshrl.u32 s1, $0x2  }
0xb9: {  	s3 =	sand.u32 $0x4000, s31;
	s1 =	sadd.s32 s1, s30  }
0xba: {  	s0 =	sor.u32 s3, s0;
	s1 =	sshll.u32 s1, $0x11  }
0xbb: {  	s0 =	sor.u32 s1, s0  }
0xbc: {  	s0 =	sadd.s32 $0x8F2B, s0  }
0xbd: {  	[sflag:s0] =	ssyncadd.remote.s32 $0x1  }
0xbe: {  	_ =	sfence.sel $0xFFFF  }
0xbf: {  	[dreg:$0x0] =	wrdreg $0xFFFFFFFF;
	(pc) =	sbr.abs _section_cstart, $3  }
0xc0: {  	[dreg:$0x1] =	wrdreg $0xFFFFFFFF  }
0xc1: {  	_ =	task.clear_ibuf [dreg:s6], $0x2FFFF;
	_ =	strace $0x9FFFFFFF  }
0xc2: {  	(tm) =	ssettm $0x7FFFFFFF  }
0xc3: {  	_ =	shalt  }
tec
execute0_lowered:
.L_overlay_start_1:
0x0: {  	(tag) =	ssettag $0x1  }
0x1: {  	s7 =	rddreg [dreg:$0x0]  }
0x2: {  	s0 =	srdreg.scid;
	s2 =	rddreg [dreg:$0x1];
	s3 =	simm.s32 $0x0  }
0x3: {  	s14 =	simm.s32 $0x3A00;
	s15 =	simm.s32 $0x7400;
	s18 =	simm.s32 $0x80  }
0x4: {  	s19 =	simm.s32 $0xE880;
	s20 =	simm.s32 $0x1;
	s21 =	simm.s32 $0x0  }
0x5: {  	s6 =	sand.u32 $0x1, s0;
	s0 =	stileid.u32;
	[smem:$0x7FF] =	sst s3  }
0x6: {  	s5 =	sadd.s32 $0x75C00, s7;
	s1 =	sshll.u32 s6, $0x4;
	s9 =	smul.u32 $0xE800, s0  }
0x7: {  	s8 =	smul.u32 $0xE8000, s6;
	s6 =	ssub.s32 $0x2, s6;
	s16 =	sshll.u32 s0, $0x6  }
0x8: {  	s1 =	sor.u32 s0, s1;
	s12 =	sshrl.u32 s6, $0x1;
	s16 =	sor.u32 $0x1C02, s16  }
0x9: {  	s4 =	smul.u32 $0x740, s1;
	s1 =	rddreg [dreg:$0x2];
	_ =	strace $0x8000004A  }
0xa: {  	s8 =	sadd.s32 s9, s8;
	s11 =	sshrl.u32 s9, $0x3;
	s12 =	ssub.s32 s6, s12  }
0xb: {  	s17 =	sadd.s32 s9, s2;
	s8 =	sshrl.u32 s8, $0x3;
	s11 =	sadd.s32 s11, s7  }
0xc: {  	s17 =	sshrl.u32 s17, $0x3;
	s10 =	sadd.s32 s4, s7;
	s4 =	sadd.s32 $0x67400, s7  }
0xd: {  	s13 =	sadd.s32 s8, s7;
	s9 =	sadd.s32 $0x92C00, s11;
	s11 =	smax.u32 s12, $0x1  }
0xe: {  	s12 =	simm.s32 $0xAE00;
	s6 =	sadd.s32 $0x58C00, s10;
	s7 =	sadd.s32 $0x4A400, s10  }
0xf: {  	s8 =	sadd.s32 $0x3BC00, s10;
	s10 =	sadd.s32 $0xAFC00, s13;
	s13 =	simm.s32 $0x2  }
.LBB2_1:
0x10: {  	[tilespmem:s12], [sflag:$0x2] =	stream.linear.gather [hbm4b:s4+s3], $0x3A00, $0x38;
	[tilespmem:$0x1F080] =	vst v63  }
0x11: {  	_ =	swait.ge [sflag:s13], $0x3A00  }
0x12: {  	[sflag:s13] =	ssyncset.done $0x0  }
0x13: {  	[sflag:s13] =	ssyncadd.s32 $0xFFFFC600  }
0x14: {  	[tilespmem:s3], [sflag:$0x2] =	stream.linear.gather [hbm4b:s6+s3], $0x3A00, $0x38;
	[tilespmem:$0x1F080] =	vst v63  }
0x15: {  	_ =	swait.ge [sflag:s13], $0x3A00  }
0x16: {  	[sflag:s13] =	ssyncset.done $0x0  }
0x17: {  	[sflag:s13] =	ssyncadd.s32 $0xFFFFC600  }
0x18: {  	[tilespmem:s14], [sflag:$0x2] =	stream.linear.gather [hbm4b:s7+s3], $0x3A00, $0x38;
	[tilespmem:$0x1F080] =	vst v63  }
0x19: {  	_ =	swait.ge [sflag:s13], $0x3A00  }
0x1a: {  	[sflag:s13] =	ssyncset.done $0x0  }
0x1b: {  	[sflag:s13] =	ssyncadd.s32 $0xFFFFC600  }
0x1c: {  	[tilespmem:s15], [sflag:$0x2] =	stream.linear.gather [hbm4b:s8+s3], $0x3A00, $0x38;
	[tilespmem:$0x1F080] =	vst v63  }
0x1d: {  	_ =	swait.ge [sflag:s13], $0x3A00  }
0x1e: {  	[sflag:s13] =	ssyncset.done $0x0  }
0x1f: {  	[sflag:s13] =	ssyncadd.s32 $0xFFFFC600  }
0x20: {  	[spmem:s17], [sflag:s16] =	dma.local [hbm:s9], $0x1D00  }
0x21: {  	_ =	swait.ge [sflag:s13], $0x1D00  }
0x22: {  	[sflag:s13] =	ssyncset.done $0x0  }
0x23: {  	[sflag:s13] =	ssyncadd.s32 $0xFFFFE300  }
0x24: {  	s22 =	simm.s32 $0x0;
	[bflag:$0x0] =	sbarrier.arrive $0xFFFF  }
.LBB2_2:
0x25: {  	s23 =	sshll.u32 s22, $0x7  }
0x26: {  	[tilespmem:s19], [sflag:$0x1] =	stream.indirect.gather [hbm4b:s5+s18], $0x40, s23, s18, $0xb8;
	[tilespmem:$0x1F080] =	vst v63  }
0x27: {  	_ =	swait.ge [sflag:s20], $0x2000  }
0x28: {  	[sflag:s20] =	ssyncset.done $0x0  }
0x29: {  	[sflag:s20] =	ssyncadd.s32 $0xFFFFE000  }
0x2a: {  	v0 =	vld [tilespmem:s23+$0x0];
	_ =	sdelay $0x1  }
0x2b: {  	v1 =	vld [tilespmem:s23+$0x3A00];
	_ =	sdelay $0x4  }
0x2c: {  	v2 =	vld [tilespmem:s23+$0x7400]  }
0x2d: {  	v0 =	vld.idx.msk [tilespmem:v0+s12+$0x0], $0xffff;
	_ =	sdelay $0x1  }
0x2e: {  	v1 =	vld.idx.msk [tilespmem:v1+s12+$0x0], $0xffff;
	_ =	sdelay $0x2  }
0x2f: {  	v0 =	vmul.f32 v2, v0;
	_ =	sdelay $0x1  }
0x30: {  	v0 =	vmul.f32 v0, v1;
	_ =	sdelay $0x1  }
0x31: {  	[tilespmem:$0xE800] =	vst v0  }
0x32: {  	v0 =	vld [tilespmem:s23+$0x10];
	_ =	sdelay $0x1  }
0x33: {  	v50 =	vld [tilespmem:s23+$0x3A10];
	_ =	sdelay $0x4  }
0x34: {  	v51 =	vld [tilespmem:s23+$0x7410]  }
0x35: {  	v0 =	vld.idx.msk [tilespmem:v0+s12+$0x0], $0xffff;
	_ =	sdelay $0x1  }
0x36: {  	v1 =	vld.idx.msk [tilespmem:v50+s12+$0x0], $0xffff;
	_ =	sdelay $0x2  }
0x37: {  	v0 =	vmul.f32 v51, v0;
	_ =	sdelay $0x1  }
0x38: {  	v0 =	vmul.f32 v0, v1;
	_ =	sdelay $0x1  }
0x39: {  	[tilespmem:$0xE810] =	vst v0  }
0x3a: {  	v0 =	vld [tilespmem:s23+$0x20];
	_ =	sdelay $0x1  }
0x3b: {  	v52 =	vld [tilespmem:s23+$0x3A20];
	_ =	sdelay $0x4  }
0x3c: {  	v53 =	vld [tilespmem:s23+$0x7420]  }
0x3d: {  	v0 =	vld.idx.msk [tilespmem:v0+s12+$0x0], $0xffff;
	_ =	sdelay $0x1  }
0x3e: {  	v1 =	vld.idx.msk [tilespmem:v52+s12+$0x0], $0xffff;
	_ =	sdelay $0x2  }
0x3f: {  	v0 =	vmul.f32 v53, v0;
	_ =	sdelay $0x1  }
0x40: {  	v0 =	vmul.f32 v0, v1;
	_ =	sdelay $0x1  }
0x41: {  	[tilespmem:$0xE820] =	vst v0  }
0x42: {  	v0 =	vld [tilespmem:s23+$0x30];
	_ =	sdelay $0x1  }
0x43: {  	v54 =	vld [tilespmem:s23+$0x3A30];
	_ =	sdelay $0x4  }
0x44: {  	v55 =	vld [tilespmem:s23+$0x7430]  }
0x45: {  	v0 =	vld.idx.msk [tilespmem:v0+s12+$0x0], $0xffff;
	_ =	sdelay $0x1  }
0x46: {  	v1 =	vld.idx.msk [tilespmem:v54+s12+$0x0], $0xffff;
	_ =	sdelay $0x2  }
0x47: {  	v0 =	vmul.f32 v55, v0;
	_ =	sdelay $0x1  }
0x48: {  	v0 =	vmul.f32 v0, v1;
	_ =	sdelay $0x1  }
0x49: {  	[tilespmem:$0xE830] =	vst v0  }
0x4a: {  	v0 =	vld [tilespmem:s23+$0x40];
	_ =	sdelay $0x1  }
0x4b: {  	v56 =	vld [tilespmem:s23+$0x3A40];
	_ =	sdelay $0x4  }
0x4c: {  	v57 =	vld [tilespmem:s23+$0x7440]  }
0x4d: {  	v0 =	vld.idx.msk [tilespmem:v0+s12+$0x0], $0xffff;
	_ =	sdelay $0x1  }
0x4e: {  	v1 =	vld.idx.msk [tilespmem:v56+s12+$0x0], $0xffff;
	_ =	sdelay $0x2  }
0x4f: {  	v0 =	vmul.f32 v57, v0;
	_ =	sdelay $0x1  }
0x50: {  	v0 =	vmul.f32 v0, v1;
	_ =	sdelay $0x1  }
0x51: {  	[tilespmem:$0xE840] =	vst v0  }
0x52: {  	v0 =	vld [tilespmem:s23+$0x50];
	_ =	sdelay $0x1  }
0x53: {  	v58 =	vld [tilespmem:s23+$0x3A50];
	_ =	sdelay $0x4  }
0x54: {  	v59 =	vld [tilespmem:s23+$0x7450]  }
0x55: {  	v0 =	vld.idx.msk [tilespmem:v0+s12+$0x0], $0xffff;
	_ =	sdelay $0x1  }
0x56: {  	v1 =	vld.idx.msk [tilespmem:v58+s12+$0x0], $0xffff;
	_ =	sdelay $0x2  }
0x57: {  	v0 =	vmul.f32 v59, v0;
	_ =	sdelay $0x1  }
0x58: {  	v0 =	vmul.f32 v0, v1;
	_ =	sdelay $0x1  }
0x59: {  	[tilespmem:$0xE850] =	vst v0  }
0x5a: {  	v0 =	vld [tilespmem:s23+$0x60];
	_ =	sdelay $0x1  }
0x5b: {  	v60 =	vld [tilespmem:s23+$0x3A60];
	_ =	sdelay $0x4  }
0x5c: {  	v61 =	vld [tilespmem:s23+$0x7460]  }
0x5d: {  	v0 =	vld.idx.msk [tilespmem:v0+s12+$0x0], $0xffff;
	_ =	sdelay $0x1  }
0x5e: {  	v1 =	vld.idx.msk [tilespmem:v60+s12+$0x0], $0xffff;
	_ =	sdelay $0x2  }
0x5f: {  	v0 =	vmul.f32 v61, v0;
	_ =	sdelay $0x1  }
0x60: {  	v0 =	vmul.f32 v0, v1;
	_ =	sdelay $0x1  }
0x61: {  	[tilespmem:$0xE860] =	vst v0  }
0x62: {  	v0 =	vld [tilespmem:s23+$0x70];
	_ =	sdelay $0x1  }
0x63: {  	v62 =	vld [tilespmem:s23+$0x3A70];
	_ =	sdelay $0x4  }
0x64: {  	v63 =	vld [tilespmem:s23+$0x7470]  }
0x65: {  	v0 =	vld.idx.msk [tilespmem:v0+s12+$0x0], $0xffff;
	_ =	sdelay $0x1  }
0x66: {  	v1 =	vld.idx.msk [tilespmem:v62+s12+$0x0], $0xffff;
	_ =	sdelay $0x2  }
0x67: {  	v0 =	vmul.f32 v63, v0;
	_ =	sdelay $0x1  }
0x68: {  	v0 =	vmul.f32 v0, v1;
	_ =	sdelay $0x1  }
0x69: {  	s24 =	simm.s32 $0x0;
	s25 =	simm.s32 $0xEA80;
	s23 =	sadd.s32 $0x3A00, s23;
	[tilespmem:$0xE870] =	vst v0  }
.LBB2_3:
0x6a: {  	s26 =	sshra.s32 s24, $0x2  }
0x6b: {  	v0 =	vld [tilespmem:s26+$0xE800];
	_ =	sdelay $0x1  }
0x6c: {  	v1 =	vld [tilespmem:s25+$0xFFFFFE00];
	_ =	sdelay $0x1  }
0x6d: {  	v47 =	vld [tilespmem:s25+$0xFFFFFE10]  }
0x6e: {  	v2 =	vbroadcast v0, $0x0  }
0x6f: {  	v48 =	vld [tilespmem:s25+$0xFFFFFE20]  }
0x70: {  	v1 =	vmul.f32 v2, v1  }
0x71: {  	v49 =	vld [tilespmem:s25+$0xFFFFFE30]  }
0x72: {  	[tilespmem:s25+$0xFFFFFE00] =	vst v1;
	v1 =	vmul.f32 v47, v2  }
0x73: {  	v50 =	vld [tilespmem:s25+$0xFFFFFE40]  }
0x74: {  	[tilespmem:s25+$0xFFFFFE10] =	vst v1;
	v1 =	vmul.f32 v48, v2  }
0x75: {  	v52 =	vld [tilespmem:s25+$0xFFFFFE50]  }
0x76: {  	v51 =	vbroadcast v0, $0x1;
	[tilespmem:s25+$0xFFFFFE20] =	vst v1;
	v1 =	vmul.f32 v49, v2  }
0x77: {  	v53 =	vld [tilespmem:s25+$0xFFFFFE60]  }
0x78: {  	[tilespmem:s25+$0xFFFFFE30] =	vst v1;
	v1 =	vmul.f32 v50, v51  }
0x79: {  	v54 =	vld [tilespmem:s25+$0xFFFFFE70]  }
0x7a: {  	[tilespmem:s25+$0xFFFFFE40] =	vst v1;
	v1 =	vmul.f32 v52, v51  }
0x7b: {  	v55 =	vld [tilespmem:s25+$0xFFFFFE80]  }
0x7c: {  	[tilespmem:s25+$0xFFFFFE50] =	vst v1;
	v1 =	vmul.f32 v53, v51  }
0x7d: {  	v57 =	vld [tilespmem:s25+$0xFFFFFE90]  }
0x7e: {  	v56 =	vbroadcast v0, $0x2;
	[tilespmem:s25+$0xFFFFFE60] =	vst v1;
	v1 =	vmul.f32 v54, v51  }
0x7f: {  	v58 =	vld [tilespmem:s25+$0xFFFFFEA0]  }
0x80: {  	[tilespmem:s25+$0xFFFFFE70] =	vst v1;
	v1 =	vmul.f32 v55, v56  }
0x81: {  	v59 =	vld [tilespmem:s25+$0xFFFFFEB0]  }
0x82: {  	[tilespmem:s25+$0xFFFFFE80] =	vst v1;
	v1 =	vmul.f32 v57, v56  }
0x83: {  	v60 =	vld [tilespmem:s25+$0xFFFFFEC0]  }
0x84: {  	[tilespmem:s25+$0xFFFFFE90] =	vst v1;
	v1 =	vmul.f32 v58, v56  }
0x85: {  	v62 =	vld [tilespmem:s25+$0xFFFFFED0]  }
0x86: {  	v61 =	vbroadcast v0, $0x3;
	[tilespmem:s25+$0xFFFFFEA0] =	vst v1;
	v1 =	vmul.f32 v59, v56  }
0x87: {  	v63 =	vld [tilespmem:s25+$0xFFFFFEE0]  }
0x88: {  	[tilespmem:s25+$0xFFFFFEB0] =	vst v1;
	v1 =	vmul.f32 v60, v61  }
0x89: {  	v4 =	vld [tilespmem:s25+$0xFFFFFEF0]  }
0x8a: {  	[tilespmem:s25+$0xFFFFFEC0] =	vst v1;
	v1 =	vmul.f32 v62, v61  }
0x8b: {  	v5 =	vld [tilespmem:s25+$0xFFFFFF00]  }
0x8c: {  	[tilespmem:s25+$0xFFFFFED0] =	vst v1;
	v1 =	vmul.f32 v63, v61  }
0x8d: {  	v7 =	vld [tilespmem:s25+$0xFFFFFF10]  }
0x8e: {  	v6 =	vbroadcast v0, $0x4;
	[tilespmem:s25+$0xFFFFFEE0] =	vst v1;
	v1 =	vmul.f32 v4, v61  }
0x8f: {  	v8 =	vld [tilespmem:s25+$0xFFFFFF20]  }
0x90: {  	[tilespmem:s25+$0xFFFFFEF0] =	vst v1;
	v1 =	vmul.f32 v5, v6  }
0x91: {  	v9 =	vld [tilespmem:s25+$0xFFFFFF30]  }
0x92: {  	[tilespmem:s25+$0xFFFFFF00] =	vst v1;
	v1 =	vmul.f32 v7, v6  }
0x93: {  	v10 =	vld [tilespmem:s25+$0xFFFFFF40]  }
0x94: {  	[tilespmem:s25+$0xFFFFFF10] =	vst v1;
	v1 =	vmul.f32 v8, v6  }
0x95: {  	v12 =	vld [tilespmem:s25+$0xFFFFFF50]  }
0x96: {  	v11 =	vbroadcast v0, $0x5;
	[tilespmem:s25+$0xFFFFFF20] =	vst v1;
	v1 =	vmul.f32 v9, v6  }
0x97: {  	v13 =	vld [tilespmem:s25+$0xFFFFFF60]  }
0x98: {  	[tilespmem:s25+$0xFFFFFF30] =	vst v1;
	v1 =	vmul.f32 v10, v11  }
0x99: {  	v14 =	vld [tilespmem:s25+$0xFFFFFF70]  }
0x9a: {  	[tilespmem:s25+$0xFFFFFF40] =	vst v1;
	v1 =	vmul.f32 v12, v11  }
0x9b: {  	v15 =	vld [tilespmem:s25+$0xFFFFFF80]  }
0x9c: {  	[tilespmem:s25+$0xFFFFFF50] =	vst v1;
	v1 =	vmul.f32 v13, v11  }
0x9d: {  	v17 =	vld [tilespmem:s25+$0xFFFFFF90]  }
0x9e: {  	v16 =	vbroadcast v0, $0x6;
	[tilespmem:s25+$0xFFFFFF60] =	vst v1;
	v1 =	vmul.f32 v14, v11  }
0x9f: {  	v18 =	vld [tilespmem:s25+$0xFFFFFFA0]  }
0xa0: {  	[tilespmem:s25+$0xFFFFFF70] =	vst v1;
	v1 =	vmul.f32 v15, v16  }
0xa1: {  	v19 =	vld [tilespmem:s25+$0xFFFFFFB0]  }
0xa2: {  	[tilespmem:s25+$0xFFFFFF80] =	vst v1;
	v1 =	vmul.f32 v17, v16  }
0xa3: {  	v20 =	vld [tilespmem:s25+$0xFFFFFFC0]  }
0xa4: {  	[tilespmem:s25+$0xFFFFFF90] =	vst v1;
	v1 =	vmul.f32 v18, v16  }
0xa5: {  	v22 =	vld [tilespmem:s25+$0xFFFFFFD0]  }
0xa6: {  	v21 =	vbroadcast v0, $0x7;
	[tilespmem:s25+$0xFFFFFFA0] =	vst v1;
	v1 =	vmul.f32 v19, v16  }
0xa7: {  	v23 =	vld [tilespmem:s25+$0xFFFFFFE0]  }
0xa8: {  	[tilespmem:s25+$0xFFFFFFB0] =	vst v1;
	v1 =	vmul.f32 v20, v21  }
0xa9: {  	v24 =	vld [tilespmem:s25+$0xFFFFFFF0]  }
0xaa: {  	[tilespmem:s25+$0xFFFFFFC0] =	vst v1;
	v1 =	vmul.f32 v22, v21  }
0xab: {  	v25 =	vld [tilespmem:s25+$0x0]  }
0xac: {  	[tilespmem:s25+$0xFFFFFFD0] =	vst v1;
	v1 =	vmul.f32 v23, v21  }
0xad: {  	v27 =	vld [tilespmem:s25+$0x10]  }
0xae: {  	v26 =	vbroadcast v0, $0x8;
	[tilespmem:s25+$0xFFFFFFE0] =	vst v1;
	v1 =	vmul.f32 v24, v21  }
0xaf: {  	v28 =	vld [tilespmem:s25+$0x20]  }
0xb0: {  	[tilespmem:s25+$0xFFFFFFF0] =	vst v1;
	v1 =	vmul.f32 v25, v26  }
0xb1: {  	v29 =	vld [tilespmem:s25+$0x30]  }
0xb2: {  	[tilespmem:s25+$0x0] =	vst v1;
	v1 =	vmul.f32 v27, v26  }
0xb3: {  	v30 =	vld [tilespmem:s25+$0x40]  }
0xb4: {  	[tilespmem:s25+$0x10] =	vst v1;
	v1 =	vmul.f32 v28, v26  }
0xb5: {  	v32 =	vld [tilespmem:s25+$0x50]  }
0xb6: {  	v31 =	vbroadcast v0, $0x9;
	[tilespmem:s25+$0x20] =	vst v1;
	v1 =	vmul.f32 v29, v26  }
0xb7: {  	v33 =	vld [tilespmem:s25+$0x60]  }
0xb8: {  	[tilespmem:s25+$0x30] =	vst v1;
	v1 =	vmul.f32 v30, v31  }
0xb9: {  	v34 =	vld [tilespmem:s25+$0x70]  }
0xba: {  	[tilespmem:s25+$0x40] =	vst v1;
	v1 =	vmul.f32 v32, v31  }
0xbb: {  	v35 =	vld [tilespmem:s25+$0x80]  }
0xbc: {  	[tilespmem:s25+$0x50] =	vst v1;
	v1 =	vmul.f32 v33, v31  }
0xbd: {  	v37 =	vld [tilespmem:s25+$0x90]  }
0xbe: {  	v36 =	vbroadcast v0, $0xA;
	[tilespmem:s25+$0x60] =	vst v1;
	v1 =	vmul.f32 v34, v31  }
0xbf: {  	v38 =	vld [tilespmem:s25+$0xA0]  }
0xc0: {  	[tilespmem:s25+$0x70] =	vst v1;
	v1 =	vmul.f32 v35, v36  }
0xc1: {  	v39 =	vld [tilespmem:s25+$0xB0]  }
0xc2: {  	[tilespmem:s25+$0x80] =	vst v1;
	v1 =	vmul.f32 v37, v36  }
0xc3: {  	v40 =	vld [tilespmem:s25+$0xC0]  }
0xc4: {  	[tilespmem:s25+$0x90] =	vst v1;
	v1 =	vmul.f32 v38, v36  }
0xc5: {  	v42 =	vld [tilespmem:s25+$0xD0]  }
0xc6: {  	v41 =	vbroadcast v0, $0xB;
	[tilespmem:s25+$0xA0] =	vst v1;
	v1 =	vmul.f32 v39, v36  }
0xc7: {  	v43 =	vld [tilespmem:s25+$0xE0]  }
0xc8: {  	[tilespmem:s25+$0xB0] =	vst v1;
	v1 =	vmul.f32 v40, v41  }
0xc9: {  	v44 =	vld [tilespmem:s25+$0xF0]  }
0xca: {  	[tilespmem:s25+$0xC0] =	vst v1;
	v1 =	vmul.f32 v42, v41  }
0xcb: {  	v45 =	vld [tilespmem:s25+$0x100]  }
0xcc: {  	[tilespmem:s25+$0xD0] =	vst v1;
	v1 =	vmul.f32 v43, v41  }
0xcd: {  	v47 =	vld [tilespmem:s25+$0x110]  }
0xce: {  	v46 =	vbroadcast v0, $0xC;
	[tilespmem:s25+$0xE0] =	vst v1;
	v1 =	vmul.f32 v44, v41  }
0xcf: {  	v48 =	vld [tilespmem:s25+$0x120]  }
0xd0: {  	[tilespmem:s25+$0xF0] =	vst v1;
	v1 =	vmul.f32 v45, v46  }
0xd1: {  	v49 =	vld [tilespmem:s25+$0x130]  }
0xd2: {  	[tilespmem:s25+$0x100] =	vst v1;
	v1 =	vmul.f32 v47, v46  }
0xd3: {  	v50 =	vld [tilespmem:s25+$0x140]  }
0xd4: {  	[tilespmem:s25+$0x110] =	vst v1;
	v1 =	vmul.f32 v48, v46  }
0xd5: {  	v52 =	vld [tilespmem:s25+$0x150]  }
0xd6: {  	v51 =	vbroadcast v0, $0xD;
	[tilespmem:s25+$0x120] =	vst v1;
	v1 =	vmul.f32 v49, v46  }
0xd7: {  	v53 =	vld [tilespmem:s25+$0x160]  }
0xd8: {  	[tilespmem:s25+$0x130] =	vst v1;
	v1 =	vmul.f32 v50, v51  }
0xd9: {  	v54 =	vld [tilespmem:s25+$0x170]  }
0xda: {  	[tilespmem:s25+$0x140] =	vst v1;
	v1 =	vmul.f32 v52, v51  }
0xdb: {  	v55 =	vld [tilespmem:s25+$0x180]  }
0xdc: {  	[tilespmem:s25+$0x150] =	vst v1;
	v1 =	vmul.f32 v53, v51  }
0xdd: {  	v57 =	vld [tilespmem:s25+$0x190]  }
0xde: {  	v56 =	vbroadcast v0, $0xE;
	[tilespmem:s25+$0x160] =	vst v1;
	v1 =	vmul.f32 v54, v51  }
0xdf: {  	v58 =	vld [tilespmem:s25+$0x1A0]  }
0xe0: {  	[tilespmem:s25+$0x170] =	vst v1;
	v1 =	vmul.f32 v55, v56  }
0xe1: {  	v59 =	vld [tilespmem:s25+$0x1B0]  }
0xe2: {  	[tilespmem:s25+$0x180] =	vst v1;
	v1 =	vmul.f32 v57, v56  }
0xe3: {  	v60 =	vld [tilespmem:s25+$0x1C0]  }
0xe4: {  	[tilespmem:s25+$0x190] =	vst v1;
	v1 =	vmul.f32 v58, v56  }
0xe5: {  	v61 =	vld [tilespmem:s25+$0x1D0]  }
0xe6: {  	v0 =	vbroadcast v0, $0xF;
	[tilespmem:s25+$0x1A0] =	vst v1;
	v1 =	vmul.f32 v59, v56  }
0xe7: {  	v62 =	vld [tilespmem:s25+$0x1E0]  }
0xe8: {  	v63 =	vld [tilespmem:s25+$0x1F0];
	[tilespmem:s25+$0x1B0] =	vst v1;
	v1 =	vmul.f32 v60, v0;
	_ =	sdelay $0x1  }
0xe9: {  	p0 =	sne.s32 s24, $0x1C0;
	[tilespmem:s25+$0x1C0] =	vst v1;
	v1 =	vmul.f32 v61, v0  }
.Ltmp0:
0xea: {  	_ = 	snop;
	(pc) =	sbr.rel @p0 .LBB2_3-.Ltmp0, $4  }
0xeb: {  	[tilespmem:s25+$0x1D0] =	vst v1;
	v1 =	vmul.f32 v62, v0  }
0xec: {  	v0 =	vmul.f32 v63, v0  }
0xed: {  	[tilespmem:s25+$0x1E0] =	vst v1  }
0xee: {  	s24 =	sadd.s32 $0x40, s24;
	[tilespmem:s25+$0x1F0] =	vst v0;
	s25 =	sadd.s32 $0x400, s25  }
0xef: {  	s22 =	sadd.s32 $0x1, s22  }
0xf0: {  	p0 =	sne.s32 s22, $0x74  }
.Ltmp1:
0xf1: {  	_ = 	snop;
	(pc) =	sbr.rel @p0 .LBB2_2-.Ltmp1, $4  }
0xf2: {  	[spmem:s2] =	stream.indirect.scatter.add.f32 [tilespmem:s19], [sflag:$0x2], $0x40, s23, s18, $0xb8;
	[tilespmem:$0x1F080] =	vst v63  }
0xf3: {  	_ =	swait.ge [sflag:s13], $0x2000  }
0xf4: {  	[sflag:s13] =	ssyncset.done $0x0  }
0xf5: {  	[sflag:s13] =	ssyncadd.s32 $0xFFFFE000  }
0xf6: {  	s21 =	sadd.s32 $0x1, s21  }
0xf7: {  	p0 =	sne.s32 s21, s11  }
.Ltmp2:
0xf8: {  	[bflag:$0x0] =	sbarrier.arrive $0xFFFF;
	(pc) =	sbr.rel @p0 .LBB2_1-.Ltmp2, $4  }
0xf9: {  	[hbm:s10], [sflag:s16] =	dma.local [spmem:s17], $0x1D00  }
0xfa: {  	_ =	swait.ge [sflag:s13], $0x1D00  }
0xfb: {  	[sflag:s13] =	ssyncset.done $0x0  }
0xfc: {  	[sflag:s13] =	ssyncadd.s32 $0xFFFFE300  }
0xfd: {  	_ =	sfence.sel $0x180000  }
0xfe: {  	[bflag:$0x0] =	sbarrier.arrive $0xFFFF  }
0xff: {  	p0 =	sne.s32 s0, $0x0;
	_ =	strace $0x9000004A  }
0x100: {  	s0 =	sadd.s32 @!p0 $0x100000, s1;
	[bflag:$0x2] =	sbarrier.arrive $0xFFFF  }
0x101: {  	[sflag:s0] =	ssyncadd.tile.s32 @!p0 $0x1;
	_ =	shalt  }
.Lfunc_end2:
_tile_overlayer_lowered:
.L_overlay_start_2:
0x102: {  	(tag) =	ssettag $0x2  }
0x103: {  	s0 =	rddreg [dreg:$0x0];
	s2 =	stileid.u32  }
0x104: {  	s1 =	rddreg [dreg:$0x1];
	p0 =	sne.s32 s2, $0x0  }
0x105: {  	s3 =	rddreg [dreg:$0x2];
	[bflag:$0x3] =	sbarrier.arrive $0xFFFF;
	s2 =	simm.s32 @!p0 $0x1C02  }
0x106: {  	[timem:s3], [sflag:s2] =	dma.local @!p0 [hbm:s0], s1  }
0x107: {  	s0 =	simm.s32 @!p0 $0x2  }
0x108: {  	_ =	swait.ge @!p0 [sflag:s0], s1  }
0x109: {  	s1 =	ssub.s32 @!p0 $0x0, s1;
	[sflag:s0] =	ssyncset.done @!p0 $0x0  }
0x10a: {  	[sflag:s0] =	ssyncadd.s32 @!p0 s1  }
0x10b: {  	[bflag:$0x3] =	sbarrier.arrive $0xFFFF  }
0x10c: {  	_ =	shalt  }

</sc_bundles>
